<compile_context>
chip_gen: v7x
topology: tpu7x:2x2x1
jax: 0.10.2.dev20260603
libtpu: 0.0.44.dev20260713+nightly
codegen_flags: <defaults>
</compile_context>

<pallas_src>
import jax
import jax.numpy as jnp
from jax import lax
from jax.experimental import pallas as pl
from jax.experimental.pallas import tpu as pltpu
from jax.experimental.pallas import tpu_sc as plsc

K = 1024
D = 64
NBLK = 1024
NW = 32
CHUNK = 128
GAP_EPS = 0.01


def _dist_block(x_ref, c_ref, dist_ref, i1_ref, i2_ref, gap_ref):
    x = x_ref[...]
    c = c_ref[...]
    dots = jax.lax.dot_general(
        c, x, (((1,), (1,)), ((), ())),
        preferred_element_type=jnp.float32,
        precision=jax.lax.Precision.HIGHEST)
    cn = jnp.sum(c * c, axis=1, keepdims=True)
    xn = jnp.sum(x * x, axis=1)[None, :]
    dist = cn - 2.0 * dots + xn
    dist_ref[...] = dist

    iota = jax.lax.broadcasted_iota(jnp.int32, (K, NBLK), 0)
    d1 = jnp.min(dist, axis=0)
    i1 = jnp.min(jnp.where(dist == d1[None, :], iota, K), axis=0)
    masked = jnp.where(iota == i1[None, :], jnp.inf, dist)
    d2 = jnp.min(masked, axis=0)
    i2 = jnp.min(jnp.where(masked == d2[None, :], iota, K), axis=0)
    i1_ref[0, :] = i1
    i2_ref[0, :] = i2
    gap_ref[0, :] = d2 - d1


def _refine_body(x_hbm, c_hbm, i1_hbm, i2_hbm, gap_hbm, out_hbm,
                 i1v, i2v, gv, ov, x16, c1g, c2g, sem):
    ppw = i1v.shape[0]
    nch = ppw // CHUNK
    wid = lax.axis_index("s") * 2 + lax.axis_index("c")
    base = wid * ppw
    cp1 = pltpu.async_copy(i1_hbm.at[0, pl.ds(base, ppw)], i1v, sem)
    cp2 = pltpu.async_copy(i2_hbm.at[0, pl.ds(base, ppw)], i2v, sem)
    cp3 = pltpu.async_copy(gap_hbm.at[0, pl.ds(base, ppw)], gv, sem)
    cp1.wait()
    cp2.wait()
    cp3.wait()

    lanes = lax.iota(jnp.int32, 16)

    def _group(g, carry):
        v1 = i1v[pl.ds(g * 16, 16)]
        near = gv[pl.ds(g * 16, 16)] < GAP_EPS
        cnt = plsc.all_reduce_population_count(near)

        def _heavy():
            v2 = i2v[pl.ds(g * 16, 16)]
            pltpu.sync_copy(x_hbm.at[pl.ds(base + g * 16, 16)], x16)
            pltpu.async_copy(c_hbm.at[v1], c1g, sem).wait()
            pltpu.async_copy(c_hbm.at[v2], c2g, sem).wait()
            e1 = jnp.zeros((16,), jnp.float32)
            e2 = jnp.zeros((16,), jnp.float32)
            for d in range(D):
                col = jnp.full((16,), d, jnp.int32)
                xd = plsc.load_gather(x16, [lanes, col])
                d1 = xd - plsc.load_gather(c1g, [lanes, col])
                d2 = xd - plsc.load_gather(c2g, [lanes, col])
                e1 = e1 + d1 * d1
                e2 = e2 + d2 * d2
            return jnp.where(e1 < e2, v1,
                             jnp.where(e2 < e1, v2, jnp.minimum(v1, v2)))

        sel = lax.cond(cnt[0] > 0, _heavy, lambda: v1)
        ov[pl.ds(g * 16, 16)] = sel
        return carry

    lax.fori_loop(0, ppw // 16, _group, 0)

    pltpu.sync_copy(ov, out_hbm.at[pl.ds(base, ppw)])


def kernel(inputs, centroids):
    n = inputs.shape[0]
    grid = (n // NBLK,)
    dist, i1, i2, gap = pl.pallas_call(
        _dist_block,
        grid=grid,
        in_specs=[
            pl.BlockSpec((NBLK, D), lambda j: (j, 0)),
            pl.BlockSpec((K, D), lambda j: (0, 0)),
        ],
        out_specs=[
            pl.BlockSpec((K, NBLK), lambda j: (0, j)),
            pl.BlockSpec((1, NBLK), lambda j: (0, j)),
            pl.BlockSpec((1, NBLK), lambda j: (0, j)),
            pl.BlockSpec((1, NBLK), lambda j: (0, j)),
        ],
        out_shape=[
            jax.ShapeDtypeStruct((K, n), jnp.float32),
            jax.ShapeDtypeStruct((1, n), jnp.int32),
            jax.ShapeDtypeStruct((1, n), jnp.int32),
            jax.ShapeDtypeStruct((1, n), jnp.float32),
        ],
    )(inputs, centroids)

    ppw = n // NW
    refine = pl.kernel(
        _refine_body,
        out_type=jax.ShapeDtypeStruct((n,), jnp.int32),
        mesh=plsc.VectorSubcoreMesh(core_axis_name="c", subcore_axis_name="s"),
        compiler_params=pltpu.CompilerParams(
            needs_layout_passes=False, use_tc_tiling_on_sc=False),
        scratch_types=[
            pltpu.VMEM((ppw,), jnp.int32),
            pltpu.VMEM((ppw,), jnp.int32),
            pltpu.VMEM((ppw,), jnp.float32),
            pltpu.VMEM((ppw,), jnp.int32),
            pltpu.VMEM((16, D), jnp.float32),
            pltpu.VMEM((16, D), jnp.float32),
            pltpu.VMEM((16, D), jnp.float32),
            pltpu.SemaphoreType.DMA,
        ],
    )
    assign = refine(inputs, centroids, i1, i2, gap)
    return dist, assign

# --- scband reference (transcript-rebuilt; emitter-appended) ---
"""Pipeline reference for scband-kmeans-69595650064393 (READ-ONLY COPY).

The authoritative reference and input builder live on the scoring server;
editing this copy changes nothing except your own understanding.
"""

import jax, jax.numpy as jnp
import numpy as np

NUM_CLUSTERS = 1024
O_SHAPE = 64
N = 16384

def setup_inputs(seed: int = 0) -> dict:
    key = jax.random.key(seed)
    k1, k2 = jax.random.split(key)
    inputs = jax.random.normal(k1, (N, O_SHAPE), dtype=jnp.float32)
    centroids = jax.random.normal(k2, (NUM_CLUSTERS, O_SHAPE), dtype=jnp.float32)
    return {"inputs": inputs, "centroids": centroids}

def reference(inputs, centroids):
    # distances[c, n] = sum_d (inputs[n, d] - centroids[c, d])**2
    diff = jnp.expand_dims(inputs, 0) - jnp.expand_dims(centroids, 1)  # [K, N, D]
    distances = jnp.sum(jnp.square(diff), axis=2)  # [K, N]
    assignments = jnp.argmin(distances, axis=0)  # [N]
    return (distances, assignments)

if __name__ == "__main__":
    import jax
    _d = setup_inputs()
    print(jax.jit(kernel)(*tuple(_d.values())))

</pallas_src>

<mosaic_0001>
#map = affine_map<(d0, d1) -> (0, 0)>
#map1 = affine_map<(d0, d1) -> (0)>
module attributes {stable_mosaic.version = 14 : i64} {
  func.func @_refine_body(%arg0: i32, %arg1: i32, %arg2: memref<16384x64xf32, #tpu.memory_space<hbm>>, %arg3: memref<1024x64xf32, #tpu.memory_space<hbm>>, %arg4: memref<1x16384xi32, #tpu.memory_space<hbm>>, %arg5: memref<1x16384xi32, #tpu.memory_space<hbm>>, %arg6: memref<1x16384xf32, #tpu.memory_space<hbm>>, %arg7: memref<16384xi32, #tpu.memory_space<hbm>>, %arg8: memref<512xi32, #tpu.memory_space<vmem>>, %arg9: memref<512xi32, #tpu.memory_space<vmem>>, %arg10: memref<512xf32, #tpu.memory_space<vmem>>, %arg11: memref<512xi32, #tpu.memory_space<vmem>>, %arg12: memref<16x64xf32, #tpu.memory_space<vmem>>, %arg13: memref<16x64xf32, #tpu.memory_space<vmem>>, %arg14: memref<16x64xf32, #tpu.memory_space<vmem>>, %arg15: memref<!tpu.dma_semaphore, #tpu.memory_space<semaphore_mem>>) attributes {dimension_semantics = [#tpu.dimension_semantics<core_parallel>, #tpu.dimension_semantics<subcore_parallel>], iteration_bounds = array<i64: 2, 16>, scalar_prefetch = 0 : i64, scratch_operands = 8 : i64, tpu.core_type = #tpu.core_type<sc_vector_subcore>, window_params = [{transform_indices = #map}, {transform_indices = #map}, {transform_indices = #map}, {transform_indices = #map}, {transform_indices = #map}, {transform_indices = #map1}]} {
    %mul3A = arith.constant 2 : i32
    %mul3A_0 = arith.muli %arg1, %mul3A : i32
    %add3A = arith.addi %mul3A_0, %arg0 : i32
    %mul3A_1 = arith.constant 512 : i32
    %mul3A_2 = arith.muli %add3A, %mul3A_1 : i32
    %dma_start3A = arith.constant 0 : i32
    %dma_start3A_3 = tpu.memref_slice %arg4[%dma_start3A, %mul3A_2] : memref<1x16384xi32, #tpu.memory_space<hbm>> -> memref<1x512xi32, #tpu.memory_space<hbm>>
    %dma_start3A_4 = tpu.memref_squeeze %dma_start3A_3 : memref<1x512xi32, #tpu.memory_space<hbm>> -> memref<512xi32, #tpu.memory_space<hbm>>
    %dma_start3A_5 = tpu.memref_slice %arg4[%dma_start3A, %mul3A_2] : memref<1x16384xi32, #tpu.memory_space<hbm>> -> memref<1x512xi32, #tpu.memory_space<hbm>>
    %dma_start3A_6 = tpu.memref_squeeze %dma_start3A_5 : memref<1x512xi32, #tpu.memory_space<hbm>> -> memref<512xi32, #tpu.memory_space<hbm>>
    tpu.enqueue_dma source(%dma_start3A_6 : memref<512xi32, #tpu.memory_space<hbm>>) target(%arg8 : memref<512xi32, #tpu.memory_space<vmem>>) target_semaphore(%arg15 : memref<!tpu.dma_semaphore, #tpu.memory_space<semaphore_mem>>)
    %dma_start3A_7 = arith.constant 0 : i32
    %dma_start3A_8 = tpu.memref_slice %arg5[%dma_start3A_7, %mul3A_2] : memref<1x16384xi32, #tpu.memory_space<hbm>> -> memref<1x512xi32, #tpu.memory_space<hbm>>
    %dma_start3A_9 = tpu.memref_squeeze %dma_start3A_8 : memref<1x512xi32, #tpu.memory_space<hbm>> -> memref<512xi32, #tpu.memory_space<hbm>>
    %dma_start3A_10 = tpu.memref_slice %arg5[%dma_start3A_7, %mul3A_2] : memref<1x16384xi32, #tpu.memory_space<hbm>> -> memref<1x512xi32, #tpu.memory_space<hbm>>
    %dma_start3A_11 = tpu.memref_squeeze %dma_start3A_10 : memref<1x512xi32, #tpu.memory_space<hbm>> -> memref<512xi32, #tpu.memory_space<hbm>>
    tpu.enqueue_dma source(%dma_start3A_11 : memref<512xi32, #tpu.memory_space<hbm>>) target(%arg9 : memref<512xi32, #tpu.memory_space<vmem>>) target_semaphore(%arg15 : memref<!tpu.dma_semaphore, #tpu.memory_space<semaphore_mem>>)
    %dma_start3A_12 = arith.constant 0 : i32
    %dma_start3A_13 = tpu.memref_slice %arg6[%dma_start3A_12, %mul3A_2] : memref<1x16384xf32, #tpu.memory_space<hbm>> -> memref<1x512xf32, #tpu.memory_space<hbm>>
    %dma_start3A_14 = tpu.memref_squeeze %dma_start3A_13 : memref<1x512xf32, #tpu.memory_space<hbm>> -> memref<512xf32, #tpu.memory_space<hbm>>
    %dma_start3A_15 = tpu.memref_slice %arg6[%dma_start3A_12, %mul3A_2] : memref<1x16384xf32, #tpu.memory_space<hbm>> -> memref<1x512xf32, #tpu.memory_space<hbm>>
    %dma_start3A_16 = tpu.memref_squeeze %dma_start3A_15 : memref<1x512xf32, #tpu.memory_space<hbm>> -> memref<512xf32, #tpu.memory_space<hbm>>
    tpu.enqueue_dma source(%dma_start3A_16 : memref<512xf32, #tpu.memory_space<hbm>>) target(%arg10 : memref<512xf32, #tpu.memory_space<vmem>>) target_semaphore(%arg15 : memref<!tpu.dma_semaphore, #tpu.memory_space<semaphore_mem>>)
    %dma_wait3A = arith.constant 0 : i32
    %dma_wait3A_17 = tpu.memref_slice %arg4[%dma_wait3A, %mul3A_2] : memref<1x16384xi32, #tpu.memory_space<hbm>> -> memref<1x512xi32, #tpu.memory_space<hbm>>
    %dma_wait3A_18 = tpu.memref_squeeze %dma_wait3A_17 : memref<1x512xi32, #tpu.memory_space<hbm>> -> memref<512xi32, #tpu.memory_space<hbm>>
    %dma_wait3A_19 = tpu.memref_slice %arg4[%dma_wait3A, %mul3A_2] : memref<1x16384xi32, #tpu.memory_space<hbm>> -> memref<1x512xi32, #tpu.memory_space<hbm>>
    %dma_wait3A_20 = tpu.memref_squeeze %dma_wait3A_19 : memref<1x512xi32, #tpu.memory_space<hbm>> -> memref<512xi32, #tpu.memory_space<hbm>>
    tpu.wait_dma2 semaphore(%arg15 : memref<!tpu.dma_semaphore, #tpu.memory_space<semaphore_mem>>) src(%dma_wait3A_20 : memref<512xi32, #tpu.memory_space<hbm>>) dst(%arg8 : memref<512xi32, #tpu.memory_space<vmem>>)
    %dma_wait3A_21 = arith.constant 0 : i32
    %dma_wait3A_22 = tpu.memref_slice %arg5[%dma_wait3A_21, %mul3A_2] : memref<1x16384xi32, #tpu.memory_space<hbm>> -> memref<1x512xi32, #tpu.memory_space<hbm>>
    %dma_wait3A_23 = tpu.memref_squeeze %dma_wait3A_22 : memref<1x512xi32, #tpu.memory_space<hbm>> -> memref<512xi32, #tpu.memory_space<hbm>>
    %dma_wait3A_24 = tpu.memref_slice %arg5[%dma_wait3A_21, %mul3A_2] : memref<1x16384xi32, #tpu.memory_space<hbm>> -> memref<1x512xi32, #tpu.memory_space<hbm>>
    %dma_wait3A_25 = tpu.memref_squeeze %dma_wait3A_24 : memref<1x512xi32, #tpu.memory_space<hbm>> -> memref<512xi32, #tpu.memory_space<hbm>>
    tpu.wait_dma2 semaphore(%arg15 : memref<!tpu.dma_semaphore, #tpu.memory_space<semaphore_mem>>) src(%dma_wait3A_25 : memref<512xi32, #tpu.memory_space<hbm>>) dst(%arg9 : memref<512xi32, #tpu.memory_space<vmem>>)
    %dma_wait3A_26 = arith.constant 0 : i32
    %dma_wait3A_27 = tpu.memref_slice %arg6[%dma_wait3A_26, %mul3A_2] : memref<1x16384xf32, #tpu.memory_space<hbm>> -> memref<1x512xf32, #tpu.memory_space<hbm>>
    %dma_wait3A_28 = tpu.memref_squeeze %dma_wait3A_27 : memref<1x512xf32, #tpu.memory_space<hbm>> -> memref<512xf32, #tpu.memory_space<hbm>>
    %dma_wait3A_29 = tpu.memref_slice %arg6[%dma_wait3A_26, %mul3A_2] : memref<1x16384xf32, #tpu.memory_space<hbm>> -> memref<1x512xf32, #tpu.memory_space<hbm>>
    %dma_wait3A_30 = tpu.memref_squeeze %dma_wait3A_29 : memref<1x512xf32, #tpu.memory_space<hbm>> -> memref<512xf32, #tpu.memory_space<hbm>>
    tpu.wait_dma2 semaphore(%arg15 : memref<!tpu.dma_semaphore, #tpu.memory_space<semaphore_mem>>) src(%dma_wait3A_30 : memref<512xf32, #tpu.memory_space<hbm>>) dst(%arg10 : memref<512xf32, #tpu.memory_space<vmem>>)
    %iota3A = tpu.iota {dimensions = array<i32: 0>} : vector<16xi32>
    %scan3A = arith.constant 0 : i32
    %scan3A_31 = arith.constant 0 : i32
    %scan3A_32 = arith.constant 32 : i32
    %scan3A_33 = arith.addi %scan3A_31, %scan3A_32 : i32
    %scan3A_34 = arith.constant 1 : i32
    scf.for %scan3A_36 = %scan3A_31 to %scan3A_33 step %scan3A_34  : i32 {
      %mul3A_37 = arith.constant 16 : i32
      %mul3A_38 = arith.muli %scan3A_36, %mul3A_37 : i32
      %get3A = arith.index_cast %mul3A_38 : i32 to index
      %get3A_39 = tpu.vector_load %arg8[%get3A] {strides = array<i32>} : memref<512xi32, #tpu.memory_space<vmem>>, vector<16xi32>,
      %mul3A_40 = arith.constant 16 : i32
      %mul3A_41 = arith.muli %scan3A_36, %mul3A_40 : i32
      %get3A_42 = arith.index_cast %mul3A_41 : i32 to index
      %get3A_43 = tpu.vector_load %arg10[%get3A_42] {strides = array<i32>} : memref<512xf32, #tpu.memory_space<vmem>>, vector<16xf32>,
      %lt3A = arith.constant 0.00999999977 : f32
      %lt3A_44 = vector.broadcast %lt3A : f32 to vector<16xf32>
      %lt3A_45 = arith.cmpf olt, %get3A_43, %lt3A_44 : vector<16xf32>
      %all_reduce_population_count3A = tpu.all_reduce %lt3A_45 {dim = 0 : i64, kind = #tpu.reduction_kind<sum>} : vector<16xi1> -> vector<16xi32>
      %slice3A = vector.extract_strided_slice %all_reduce_population_count3A {offsets = [0], sizes = [1], strides = [1]} : vector<16xi32> to vector<1xi32>
      %squeeze3A = vector.extract %slice3A[0] : i32 from vector<1xi32>
      %gt3A = arith.constant 0 : i32
      %gt3A_46 = arith.cmpi sgt, %squeeze3A, %gt3A : i32
      %convert_element_type3A = arith.extui %gt3A_46 : i1 to i32
      %cond3A = arith.constant 0 : i32
      %cond3A_47 = arith.cmpi ne, %convert_element_type3A, %cond3A : i32
      %cond3A_48 = scf.if %cond3A_47 -> (vector<16xi32>) {
        %mul3A_52 = arith.constant 16 : i32
        %mul3A_53 = arith.muli %scan3A_36, %mul3A_52 : i32
        %get3A_54 = arith.index_cast %mul3A_53 : i32 to index
        %get3A_55 = tpu.vector_load %arg9[%get3A_54] {strides = array<i32>} : memref<512xi32, #tpu.memory_space<vmem>>, vector<16xi32>,
        %mul3A_56 = arith.constant 16 : i32
        %mul3A_57 = arith.muli %scan3A_36, %mul3A_56 : i32
        %add3A_58 = arith.addi %mul3A_2, %mul3A_57 : i32
        "tpu.region"() ({
          %run_scoped3A = tpu.sem_alloc : memref<!tpu.dma_semaphore, #tpu.memory_space<semaphore_mem>>
          %dma_start3A_779 = arith.constant 0 : i32
          %dma_start3A_780 = tpu.memref_slice %arg2[%add3A_58, %dma_start3A_779] : memref<16384x64xf32, #tpu.memory_space<hbm>> -> memref<16x64xf32, #tpu.memory_space<hbm>>
          %dma_start3A_781 = arith.constant 0 : i32
          %dma_start3A_782 = tpu.memref_slice %arg2[%add3A_58, %dma_start3A_781] : memref<16384x64xf32, #tpu.memory_space<hbm>> -> memref<16x64xf32, #tpu.memory_space<hbm>>
          tpu.enqueue_dma source(%dma_start3A_782 : memref<16x64xf32, #tpu.memory_space<hbm>>) target(%arg12 : memref<16x64xf32, #tpu.memory_space<vmem>>) target_semaphore(%run_scoped3A : memref<!tpu.dma_semaphore, #tpu.memory_space<semaphore_mem>>)
          %dma_wait3A_783 = arith.constant 0 : i32
          %dma_wait3A_784 = tpu.memref_slice %arg2[%add3A_58, %dma_wait3A_783] : memref<16384x64xf32, #tpu.memory_space<hbm>> -> memref<16x64xf32, #tpu.memory_space<hbm>>
          %dma_wait3A_785 = arith.constant 0 : i32
          %dma_wait3A_786 = tpu.memref_slice %arg2[%add3A_58, %dma_wait3A_785] : memref<16384x64xf32, #tpu.memory_space<hbm>> -> memref<16x64xf32, #tpu.memory_space<hbm>>
          tpu.wait_dma2 semaphore(%run_scoped3A : memref<!tpu.dma_semaphore, #tpu.memory_space<semaphore_mem>>) src(%dma_wait3A_786 : memref<16x64xf32, #tpu.memory_space<hbm>>) dst(%arg12 : memref<16x64xf32, #tpu.memory_space<vmem>>)
          tpu.yield
        }) : () -> ()
        %dma_start3A_59 = arith.constant 0 : i32
        %dma_start3A_60 = arith.constant 0 : i32
        %dma_start3A_61 = tpu.memref_slice %arg3[%dma_start3A_59, %dma_start3A_60] : memref<1024x64xf32, #tpu.memory_space<hbm>> -> memref<1024x64xf32, #tpu.memory_space<hbm>>
        tpu.enqueue_indirect_dma source(%dma_start3A_61 : memref<1024x64xf32, #tpu.memory_space<hbm>>) target(%arg13 : memref<16x64xf32, #tpu.memory_space<vmem>>) offsets(%get3A_39 : vector<16xi32>) semaphore(%arg15 : memref<!tpu.dma_semaphore, #tpu.memory_space<semaphore_mem>>)
        %dma_wait3A_62 = arith.constant 0 : i32
        %dma_wait3A_63 = arith.constant 0 : i32
        %dma_wait3A_64 = tpu.memref_slice %arg3[%dma_wait3A_62, %dma_wait3A_63] : memref<1024x64xf32, #tpu.memory_space<hbm>> -> memref<1024x64xf32, #tpu.memory_space<hbm>>
        tpu.wait_indirect_dma semaphore(%arg15 : memref<!tpu.dma_semaphore, #tpu.memory_space<semaphore_mem>>) src(%dma_wait3A_64 : memref<1024x64xf32, #tpu.memory_space<hbm>>) dst(%arg13 : memref<16x64xf32, #tpu.memory_space<vmem>>)
        %dma_start3A_65 = arith.constant 0 : i32
        %dma_start3A_66 = arith.constant 0 : i32
        %dma_start3A_67 = tpu.memref_slice %arg3[%dma_start3A_65, %dma_start3A_66] : memref<1024x64xf32, #tpu.memory_space<hbm>> -> memref<1024x64xf32, #tpu.memory_space<hbm>>
        tpu.enqueue_indirect_dma source(%dma_start3A_67 : memref<1024x64xf32, #tpu.memory_space<hbm>>) target(%arg14 : memref<16x64xf32, #tpu.memory_space<vmem>>) offsets(%get3A_55 : vector<16xi32>) semaphore(%arg15 : memref<!tpu.dma_semaphore, #tpu.memory_space<semaphore_mem>>)
        %dma_wait3A_68 = arith.constant 0 : i32
        %dma_wait3A_69 = arith.constant 0 : i32
        %dma_wait3A_70 = tpu.memref_slice %arg3[%dma_wait3A_68, %dma_wait3A_69] : memref<1024x64xf32, #tpu.memory_space<hbm>> -> memref<1024x64xf32, #tpu.memory_space<hbm>>
        tpu.wait_indirect_dma semaphore(%arg15 : memref<!tpu.dma_semaphore, #tpu.memory_space<semaphore_mem>>) src(%dma_wait3A_70 : memref<1024x64xf32, #tpu.memory_space<hbm>>) dst(%arg14 : memref<16x64xf32, #tpu.memory_space<vmem>>)
        %broadcast_in_dim3A = arith.constant 0.000000e+00 : f32
        %broadcast_in_dim3A_71 = vector.broadcast %broadcast_in_dim3A : f32 to vector<16xf32>
        %broadcast_in_dim3A_72 = arith.constant 0.000000e+00 : f32
        %broadcast_in_dim3A_73 = vector.broadcast %broadcast_in_dim3A_72 : f32 to vector<16xf32>
        %broadcast_in_dim3A_74 = arith.constant 0 : i32
        %broadcast_in_dim3A_75 = vector.broadcast %broadcast_in_dim3A_74 : i32 to vector<16xi32>
        %gather3A = tpu.vector_load_idx %arg12[%iota3A, %broadcast_in_dim3A_75] : memref<16x64xf32, #tpu.memory_space<vmem>>[vector<16xi32>, vector<16xi32>], vector<16xf32>,
        %gather3A_76 = tpu.vector_load_idx %arg13[%iota3A, %broadcast_in_dim3A_75] : memref<16x64xf32, #tpu.memory_space<vmem>>[vector<16xi32>, vector<16xi32>], vector<16xf32>,
        %sub3A = arith.subf %gather3A, %gather3A_76 : vector<16xf32>
        %gather3A_77 = tpu.vector_load_idx %arg14[%iota3A, %broadcast_in_dim3A_75] : memref<16x64xf32, #tpu.memory_space<vmem>>[vector<16xi32>, vector<16xi32>], vector<16xf32>,
        %sub3A_78 = arith.subf %gather3A, %gather3A_77 : vector<16xf32>
        %mul3A_79 = arith.mulf %sub3A, %sub3A : vector<16xf32>
        %add3A_80 = arith.addf %broadcast_in_dim3A_71, %mul3A_79 : vector<16xf32>
        %mul3A_81 = arith.mulf %sub3A_78, %sub3A_78 : vector<16xf32>
        %add3A_82 = arith.addf %broadcast_in_dim3A_73, %mul3A_81 : vector<16xf32>
        %broadcast_in_dim3A_83 = arith.constant 1 : i32
        %broadcast_in_dim3A_84 = vector.broadcast %broadcast_in_dim3A_83 : i32 to vector<16xi32>
        %gather3A_85 = tpu.vector_load_idx %arg12[%iota3A, %broadcast_in_dim3A_84] : memref<16x64xf32, #tpu.memory_space<vmem>>[vector<16xi32>, vector<16xi32>], vector<16xf32>,
        %gather3A_86 = tpu.vector_load_idx %arg13[%iota3A, %broadcast_in_dim3A_84] : memref<16x64xf32, #tpu.memory_space<vmem>>[vector<16xi32>, vector<16xi32>], vector<16xf32>,
        %sub3A_87 = arith.subf %gather3A_85, %gather3A_86 : vector<16xf32>
        %gather3A_88 = tpu.vector_load_idx %arg14[%iota3A, %broadcast_in_dim3A_84] : memref<16x64xf32, #tpu.memory_space<vmem>>[vector<16xi32>, vector<16xi32>], vector<16xf32>,
        %sub3A_89 = arith.subf %gather3A_85, %gather3A_88 : vector<16xf32>
        %mul3A_90 = arith.mulf %sub3A_87, %sub3A_87 : vector<16xf32>
        %add3A_91 = arith.addf %add3A_80, %mul3A_90 : vector<16xf32>
        %mul3A_92 = arith.mulf %sub3A_89, %sub3A_89 : vector<16xf32>
        %add3A_93 = arith.addf %add3A_82, %mul3A_92 : vector<16xf32>
        %broadcast_in_dim3A_94 = arith.constant 2 : i32
        %broadcast_in_dim3A_95 = vector.broadcast %broadcast_in_dim3A_94 : i32 to vector<16xi32>
        %gather3A_96 = tpu.vector_load_idx %arg12[%iota3A, %broadcast_in_dim3A_95] : memref<16x64xf32, #tpu.memory_space<vmem>>[vector<16xi32>, vector<16xi32>], vector<16xf32>,
        %gather3A_97 = tpu.vector_load_idx %arg13[%iota3A, %broadcast_in_dim3A_95] : memref<16x64xf32, #tpu.memory_space<vmem>>[vector<16xi32>, vector<16xi32>], vector<16xf32>,
        %sub3A_98 = arith.subf %gather3A_96, %gather3A_97 : vector<16xf32>
        %gather3A_99 = tpu.vector_load_idx %arg14[%iota3A, %broadcast_in_dim3A_95] : memref<16x64xf32, #tpu.memory_space<vmem>>[vector<16xi32>, vector<16xi32>], vector<16xf32>,
        %sub3A_100 = arith.subf %gather3A_96, %gather3A_99 : vector<16xf32>
        %mul3A_101 = arith.mulf %sub3A_98, %sub3A_98 : vector<16xf32>
        %add3A_102 = arith.addf %add3A_91, %mul3A_101 : vector<16xf32>
        %mul3A_103 = arith.mulf %sub3A_100, %sub3A_100 : vector<16xf32>
        %add3A_104 = arith.addf %add3A_93, %mul3A_103 : vector<16xf32>
        %broadcast_in_dim3A_105 = arith.constant 3 : i32
        %broadcast_in_dim3A_106 = vector.broadcast %broadcast_in_dim3A_105 : i32 to vector<16xi32>
        %gather3A_107 = tpu.vector_load_idx %arg12[%iota3A, %broadcast_in_dim3A_106] : memref<16x64xf32, #tpu.memory_space<vmem>>[vector<16xi32>, vector<16xi32>], vector<16xf32>,
        %gather3A_108 = tpu.vector_load_idx %arg13[%iota3A, %broadcast_in_dim3A_106] : memref<16x64xf32, #tpu.memory_space<vmem>>[vector<16xi32>, vector<16xi32>], vector<16xf32>,
        %sub3A_109 = arith.subf %gather3A_107, %gather3A_108 : vector<16xf32>
        %gather3A_110 = tpu.vector_load_idx %arg14[%iota3A, %broadcast_in_dim3A_106] : memref<16x64xf32, #tpu.memory_space<vmem>>[vector<16xi32>, vector<16xi32>], vector<16xf32>,
        %sub3A_111 = arith.subf %gather3A_107, %gather3A_110 : vector<16xf32>
        %mul3A_112 = arith.mulf %sub3A_109, %sub3A_109 : vector<16xf32>
        %add3A_113 = arith.addf %add3A_102, %mul3A_112 : vector<16xf32>
        %mul3A_114 = arith.mulf %sub3A_111, %sub3A_111 : vector<16xf32>
        %add3A_115 = arith.addf %add3A_104, %mul3A_114 : vector<16xf32>
        %broadcast_in_dim3A_116 = arith.constant 4 : i32
        %broadcast_in_dim3A_117 = vector.broadcast %broadcast_in_dim3A_116 : i32 to vector<16xi32>
        %gather3A_118 = tpu.vector_load_idx %arg12[%iota3A, %broadcast_in_dim3A_117] : memref<16x64xf32, #tpu.memory_space<vmem>>[vector<16xi32>, vector<16xi32>], vector<16xf32>,
        %gather3A_119 = tpu.vector_load_idx %arg13[%iota3A, %broadcast_in_dim3A_117] : memref<16x64xf32, #tpu.memory_space<vmem>>[vector<16xi32>, vector<16xi32>], vector<16xf32>,
        %sub3A_120 = arith.subf %gather3A_118, %gather3A_119 : vector<16xf32>
        %gather3A_121 = tpu.vector_load_idx %arg14[%iota3A, %broadcast_in_dim3A_117] : memref<16x64xf32, #tpu.memory_space<vmem>>[vector<16xi32>, vector<16xi32>], vector<16xf32>,
        %sub3A_122 = arith.subf %gather3A_118, %gather3A_121 : vector<16xf32>
        %mul3A_123 = arith.mulf %sub3A_120, %sub3A_120 : vector<16xf32>
        %add3A_124 = arith.addf %add3A_113, %mul3A_123 : vector<16xf32>
        %mul3A_125 = arith.mulf %sub3A_122, %sub3A_122 : vector<16xf32>
        %add3A_126 = arith.addf %add3A_115, %mul3A_125 : vector<16xf32>
        %broadcast_in_dim3A_127 = arith.constant 5 : i32
        %broadcast_in_dim3A_128 = vector.broadcast %broadcast_in_dim3A_127 : i32 to vector<16xi32>
        %gather3A_129 = tpu.vector_load_idx %arg12[%iota3A, %broadcast_in_dim3A_128] : memref<16x64xf32, #tpu.memory_space<vmem>>[vector<16xi32>, vector<16xi32>], vector<16xf32>,
        %gather3A_130 = tpu.vector_load_idx %arg13[%iota3A, %broadcast_in_dim3A_128] : memref<16x64xf32, #tpu.memory_space<vmem>>[vector<16xi32>, vector<16xi32>], vector<16xf32>,
        %sub3A_131 = arith.subf %gather3A_129, %gather3A_130 : vector<16xf32>
        %gather3A_132 = tpu.vector_load_idx %arg14[%iota3A, %broadcast_in_dim3A_128] : memref<16x64xf32, #tpu.memory_space<vmem>>[vector<16xi32>, vector<16xi32>], vector<16xf32>,
        %sub3A_133 = arith.subf %gather3A_129, %gather3A_132 : vector<16xf32>
        %mul3A_134 = arith.mulf %sub3A_131, %sub3A_131 : vector<16xf32>
        %add3A_135 = arith.addf %add3A_124, %mul3A_134 : vector<16xf32>
        %mul3A_136 = arith.mulf %sub3A_133, %sub3A_133 : vector<16xf32>
        %add3A_137 = arith.addf %add3A_126, %mul3A_136 : vector<16xf32>
        %broadcast_in_dim3A_138 = arith.constant 6 : i32
        %broadcast_in_dim3A_139 = vector.broadcast %broadcast_in_dim3A_138 : i32 to vector<16xi32>
        %gather3A_140 = tpu.vector_load_idx %arg12[%iota3A, %broadcast_in_dim3A_139] : memref<16x64xf32, #tpu.memory_space<vmem>>[vector<16xi32>, vector<16xi32>], vector<16xf32>,
        %gather3A_141 = tpu.vector_load_idx %arg13[%iota3A, %broadcast_in_dim3A_139] : memref<16x64xf32, #tpu.memory_space<vmem>>[vector<16xi32>, vector<16xi32>], vector<16xf32>,
        %sub3A_142 = arith.subf %gather3A_140, %gather3A_141 : vector<16xf32>
        %gather3A_143 = tpu.vector_load_idx %arg14[%iota3A, %broadcast_in_dim3A_139] : memref<16x64xf32, #tpu.memory_space<vmem>>[vector<16xi32>, vector<16xi32>], vector<16xf32>,
        %sub3A_144 = arith.subf %gather3A_140, %gather3A_143 : vector<16xf32>
        %mul3A_145 = arith.mulf %sub3A_142, %sub3A_142 : vector<16xf32>
        %add3A_146 = arith.addf %add3A_135, %mul3A_145 : vector<16xf32>
        %mul3A_147 = arith.mulf %sub3A_144, %sub3A_144 : vector<16xf32>
        %add3A_148 = arith.addf %add3A_137, %mul3A_147 : vector<16xf32>
        %broadcast_in_dim3A_149 = arith.constant 7 : i32
        %broadcast_in_dim3A_150 = vector.broadcast %broadcast_in_dim3A_149 : i32 to vector<16xi32>
        %gather3A_151 = tpu.vector_load_idx %arg12[%iota3A, %broadcast_in_dim3A_150] : memref<16x64xf32, #tpu.memory_space<vmem>>[vector<16xi32>, vector<16xi32>], vector<16xf32>,
        %gather3A_152 = tpu.vector_load_idx %arg13[%iota3A, %broadcast_in_dim3A_150] : memref<16x64xf32, #tpu.memory_space<vmem>>[vector<16xi32>, vector<16xi32>], vector<16xf32>,
        %sub3A_153 = arith.subf %gather3A_151, %gather3A_152 : vector<16xf32>
        %gather3A_154 = tpu.vector_load_idx %arg14[%iota3A, %broadcast_in_dim3A_150] : memref<16x64xf32, #tpu.memory_space<vmem>>[vector<16xi32>, vector<16xi32>], vector<16xf32>,
        %sub3A_155 = arith.subf %gather3A_151, %gather3A_154 : vector<16xf32>
        %mul3A_156 = arith.mulf %sub3A_153, %sub3A_153 : vector<16xf32>
        %add3A_157 = arith.addf %add3A_146, %mul3A_156 : vector<16xf32>
        %mul3A_158 = arith.mulf %sub3A_155, %sub3A_155 : vector<16xf32>
        %add3A_159 = arith.addf %add3A_148, %mul3A_158 : vector<16xf32>
        %broadcast_in_dim3A_160 = arith.constant 8 : i32
        %broadcast_in_dim3A_161 = vector.broadcast %broadcast_in_dim3A_160 : i32 to vector<16xi32>
        %gather3A_162 = tpu.vector_load_idx %arg12[%iota3A, %broadcast_in_dim3A_161] : memref<16x64xf32, #tpu.memory_space<vmem>>[vector<16xi32>, vector<16xi32>], vector<16xf32>,
        %gather3A_163 = tpu.vector_load_idx %arg13[%iota3A, %broadcast_in_dim3A_161] : memref<16x64xf32, #tpu.memory_space<vmem>>[vector<16xi32>, vector<16xi32>], vector<16xf32>,
        %sub3A_164 = arith.subf %gather3A_162, %gather3A_163 : vector<16xf32>
        %gather3A_165 = tpu.vector_load_idx %arg14[%iota3A, %broadcast_in_dim3A_161] : memref<16x64xf32, #tpu.memory_space<vmem>>[vector<16xi32>, vector<16xi32>], vector<16xf32>,
        %sub3A_166 = arith.subf %gather3A_162, %gather3A_165 : vector<16xf32>
        %mul3A_167 = arith.mulf %sub3A_164, %sub3A_164 : vector<16xf32>
        %add3A_168 = arith.addf %add3A_157, %mul3A_167 : vector<16xf32>
        %mul3A_169 = arith.mulf %sub3A_166, %sub3A_166 : vector<16xf32>
        %add3A_170 = arith.addf %add3A_159, %mul3A_169 : vector<16xf32>
        %broadcast_in_dim3A_171 = arith.constant 9 : i32
        %broadcast_in_dim3A_172 = vector.broadcast %broadcast_in_dim3A_171 : i32 to vector<16xi32>
        %gather3A_173 = tpu.vector_load_idx %arg12[%iota3A, %broadcast_in_dim3A_172] : memref<16x64xf32, #tpu.memory_space<vmem>>[vector<16xi32>, vector<16xi32>], vector<16xf32>,
        %gather3A_174 = tpu.vector_load_idx %arg13[%iota3A, %broadcast_in_dim3A_172] : memref<16x64xf32, #tpu.memory_space<vmem>>[vector<16xi32>, vector<16xi32>], vector<16xf32>,
        %sub3A_175 = arith.subf %gather3A_173, %gather3A_174 : vector<16xf32>
        %gather3A_176 = tpu.vector_load_idx %arg14[%iota3A, %broadcast_in_dim3A_172] : memref<16x64xf32, #tpu.memory_space<vmem>>[vector<16xi32>, vector<16xi32>], vector<16xf32>,
        %sub3A_177 = arith.subf %gather3A_173, %gather3A_176 : vector<16xf32>
        %mul3A_178 = arith.mulf %sub3A_175, %sub3A_175 : vector<16xf32>
        %add3A_179 = arith.addf %add3A_168, %mul3A_178 : vector<16xf32>
        %mul3A_180 = arith.mulf %sub3A_177, %sub3A_177 : vector<16xf32>
        %add3A_181 = arith.addf %add3A_170, %mul3A_180 : vector<16xf32>
        %broadcast_in_dim3A_182 = arith.constant 10 : i32
        %broadcast_in_dim3A_183 = vector.broadcast %broadcast_in_dim3A_182 : i32 to vector<16xi32>
        %gather3A_184 = tpu.vector_load_idx %arg12[%iota3A, %broadcast_in_dim3A_183] : memref<16x64xf32, #tpu.memory_space<vmem>>[vector<16xi32>, vector<16xi32>], vector<16xf32>,
        %gather3A_185 = tpu.vector_load_idx %arg13[%iota3A, %broadcast_in_dim3A_183] : memref<16x64xf32, #tpu.memory_space<vmem>>[vector<16xi32>, vector<16xi32>], vector<16xf32>,
        %sub3A_186 = arith.subf %gather3A_184, %gather3A_185 : vector<16xf32>
        %gather3A_187 = tpu.vector_load_idx %arg14[%iota3A, %broadcast_in_dim3A_183] : memref<16x64xf32, #tpu.memory_space<vmem>>[vector<16xi32>, vector<16xi32>], vector<16xf32>,
        %sub3A_188 = arith.subf %gather3A_184, %gather3A_187 : vector<16xf32>
        %mul3A_189 = arith.mulf %sub3A_186, %sub3A_186 : vector<16xf32>
        %add3A_190 = arith.addf %add3A_179, %mul3A_189 : vector<16xf32>
        %mul3A_191 = arith.mulf %sub3A_188, %sub3A_188 : vector<16xf32>
        %add3A_192 = arith.addf %add3A_181, %mul3A_191 : vector<16xf32>
        %broadcast_in_dim3A_193 = arith.constant 11 : i32
        %broadcast_in_dim3A_194 = vector.broadcast %broadcast_in_dim3A_193 : i32 to vector<16xi32>
        %gather3A_195 = tpu.vector_load_idx %arg12[%iota3A, %broadcast_in_dim3A_194] : memref<16x64xf32, #tpu.memory_space<vmem>>[vector<16xi32>, vector<16xi32>], vector<16xf32>,
        %gather3A_196 = tpu.vector_load_idx %arg13[%iota3A, %broadcast_in_dim3A_194] : memref<16x64xf32, #tpu.memory_space<vmem>>[vector<16xi32>, vector<16xi32>], vector<16xf32>,
        %sub3A_197 = arith.subf %gather3A_195, %gather3A_196 : vector<16xf32>
        %gather3A_198 = tpu.vector_load_idx %arg14[%iota3A, %broadcast_in_dim3A_194] : memref<16x64xf32, #tpu.memory_space<vmem>>[vector<16xi32>, vector<16xi32>], vector<16xf32>,
        %sub3A_199 = arith.subf %gather3A_195, %gather3A_198 : vector<16xf32>
        %mul3A_200 = arith.mulf %sub3A_197, %sub3A_197 : vector<16xf32>
        %add3A_201 = arith.addf %add3A_190, %mul3A_200 : vector<16xf32>
        %mul3A_202 = arith.mulf %sub3A_199, %sub3A_199 : vector<16xf32>
        %add3A_203 = arith.addf %add3A_192, %mul3A_202 : vector<16xf32>
        %broadcast_in_dim3A_204 = arith.constant 12 : i32
        %broadcast_in_dim3A_205 = vector.broadcast %broadcast_in_dim3A_204 : i32 to vector<16xi32>
        %gather3A_206 = tpu.vector_load_idx %arg12[%iota3A, %broadcast_in_dim3A_205] : memref<16x64xf32, #tpu.memory_space<vmem>>[vector<16xi32>, vector<16xi32>], vector<16xf32>,
        %gather3A_207 = tpu.vector_load_idx %arg13[%iota3A, %broadcast_in_dim3A_205] : memref<16x64xf32, #tpu.memory_space<vmem>>[vector<16xi32>, vector<16xi32>], vector<16xf32>,
        %sub3A_208 = arith.subf %gather3A_206, %gather3A_207 : vector<16xf32>
        %gather3A_209 = tpu.vector_load_idx %arg14[%iota3A, %broadcast_in_dim3A_205] : memref<16x64xf32, #tpu.memory_space<vmem>>[vector<16xi32>, vector<16xi32>], vector<16xf32>,
        %sub3A_210 = arith.subf %gather3A_206, %gather3A_209 : vector<16xf32>
        %mul3A_211 = arith.mulf %sub3A_208, %sub3A_208 : vector<16xf32>
        %add3A_212 = arith.addf %add3A_201, %mul3A_211 : vector<16xf32>
        %mul3A_213 = arith.mulf %sub3A_210, %sub3A_210 : vector<16xf32>
        %add3A_214 = arith.addf %add3A_203, %mul3A_213 : vector<16xf32>
        %broadcast_in_dim3A_215 = arith.constant 13 : i32
        %broadcast_in_dim3A_216 = vector.broadcast %broadcast_in_dim3A_215 : i32 to vector<16xi32>
        %gather3A_217 = tpu.vector_load_idx %arg12[%iota3A, %broadcast_in_dim3A_216] : memref<16x64xf32, #tpu.memory_space<vmem>>[vector<16xi32>, vector<16xi32>], vector<16xf32>,
        %gather3A_218 = tpu.vector_load_idx %arg13[%iota3A, %broadcast_in_dim3A_216] : memref<16x64xf32, #tpu.memory_space<vmem>>[vector<16xi32>, vector<16xi32>], vector<16xf32>,
        %sub3A_219 = arith.subf %gather3A_217, %gather3A_218 : vector<16xf32>
        %gather3A_220 = tpu.vector_load_idx %arg14[%iota3A, %broadcast_in_dim3A_216] : memref<16x64xf32, #tpu.memory_space<vmem>>[vector<16xi32>, vector<16xi32>], vector<16xf32>,
        %sub3A_221 = arith.subf %gather3A_217, %gather3A_220 : vector<16xf32>
        %mul3A_222 = arith.mulf %sub3A_219, %sub3A_219 : vector<16xf32>
        %add3A_223 = arith.addf %add3A_212, %mul3A_222 : vector<16xf32>
        %mul3A_224 = arith.mulf %sub3A_221, %sub3A_221 : vector<16xf32>
        %add3A_225 = arith.addf %add3A_214, %mul3A_224 : vector<16xf32>
        %broadcast_in_dim3A_226 = arith.constant 14 : i32
        %broadcast_in_dim3A_227 = vector.broadcast %broadcast_in_dim3A_226 : i32 to vector<16xi32>
        %gather3A_228 = tpu.vector_load_idx %arg12[%iota3A, %broadcast_in_dim3A_227] : memref<16x64xf32, #tpu.memory_space<vmem>>[vector<16xi32>, vector<16xi32>], vector<16xf32>,
        %gather3A_229 = tpu.vector_load_idx %arg13[%iota3A, %broadcast_in_dim3A_227] : memref<16x64xf32, #tpu.memory_space<vmem>>[vector<16xi32>, vector<16xi32>], vector<16xf32>,
        %sub3A_230 = arith.subf %gather3A_228, %gather3A_229 : vector<16xf32>
        %gather3A_231 = tpu.vector_load_idx %arg14[%iota3A, %broadcast_in_dim3A_227] : memref<16x64xf32, #tpu.memory_space<vmem>>[vector<16xi32>, vector<16xi32>], vector<16xf32>,
        %sub3A_232 = arith.subf %gather3A_228, %gather3A_231 : vector<16xf32>
        %mul3A_233 = arith.mulf %sub3A_230, %sub3A_230 : vector<16xf32>
        %add3A_234 = arith.addf %add3A_223, %mul3A_233 : vector<16xf32>
        %mul3A_235 = arith.mulf %sub3A_232, %sub3A_232 : vector<16xf32>
        %add3A_236 = arith.addf %add3A_225, %mul3A_235 : vector<16xf32>
        %broadcast_in_dim3A_237 = arith.constant 15 : i32
        %broadcast_in_dim3A_238 = vector.broadcast %broadcast_in_dim3A_237 : i32 to vector<16xi32>
        %gather3A_239 = tpu.vector_load_idx %arg12[%iota3A, %broadcast_in_dim3A_238] : memref<16x64xf32, #tpu.memory_space<vmem>>[vector<16xi32>, vector<16xi32>], vector<16xf32>,
        %gather3A_240 = tpu.vector_load_idx %arg13[%iota3A, %broadcast_in_dim3A_238] : memref<16x64xf32, #tpu.memory_space<vmem>>[vector<16xi32>, vector<16xi32>], vector<16xf32>,
        %sub3A_241 = arith.subf %gather3A_239, %gather3A_240 : vector<16xf32>
        %gather3A_242 = tpu.vector_load_idx %arg14[%iota3A, %broadcast_in_dim3A_238] : memref<16x64xf32, #tpu.memory_space<vmem>>[vector<16xi32>, vector<16xi32>], vector<16xf32>,
        %sub3A_243 = arith.subf %gather3A_239, %gather3A_242 : vector<16xf32>
        %mul3A_244 = arith.mulf %sub3A_241, %sub3A_241 : vector<16xf32>
        %add3A_245 = arith.addf %add3A_234, %mul3A_244 : vector<16xf32>
        %mul3A_246 = arith.mulf %sub3A_243, %sub3A_243 : vector<16xf32>
        %add3A_247 = arith.addf %add3A_236, %mul3A_246 : vector<16xf32>
        %broadcast_in_dim3A_248 = arith.constant 16 : i32
        %broadcast_in_dim3A_249 = vector.broadcast %broadcast_in_dim3A_248 : i32 to vector<16xi32>
        %gather3A_250 = tpu.vector_load_idx %arg12[%iota3A, %broadcast_in_dim3A_249] : memref<16x64xf32, #tpu.memory_space<vmem>>[vector<16xi32>, vector<16xi32>], vector<16xf32>,
        %gather3A_251 = tpu.vector_load_idx %arg13[%iota3A, %broadcast_in_dim3A_249] : memref<16x64xf32, #tpu.memory_space<vmem>>[vector<16xi32>, vector<16xi32>], vector<16xf32>,
        %sub3A_252 = arith.subf %gather3A_250, %gather3A_251 : vector<16xf32>
        %gather3A_253 = tpu.vector_load_idx %arg14[%iota3A, %broadcast_in_dim3A_249] : memref<16x64xf32, #tpu.memory_space<vmem>>[vector<16xi32>, vector<16xi32>], vector<16xf32>,
        %sub3A_254 = arith.subf %gather3A_250, %gather3A_253 : vector<16xf32>
        %mul3A_255 = arith.mulf %sub3A_252, %sub3A_252 : vector<16xf32>
        %add3A_256 = arith.addf %add3A_245, %mul3A_255 : vector<16xf32>
        %mul3A_257 = arith.mulf %sub3A_254, %sub3A_254 : vector<16xf32>
        %add3A_258 = arith.addf %add3A_247, %mul3A_257 : vector<16xf32>
        %broadcast_in_dim3A_259 = arith.constant 17 : i32
        %broadcast_in_dim3A_260 = vector.broadcast %broadcast_in_dim3A_259 : i32 to vector<16xi32>
        %gather3A_261 = tpu.vector_load_idx %arg12[%iota3A, %broadcast_in_dim3A_260] : memref<16x64xf32, #tpu.memory_space<vmem>>[vector<16xi32>, vector<16xi32>], vector<16xf32>,
        %gather3A_262 = tpu.vector_load_idx %arg13[%iota3A, %broadcast_in_dim3A_260] : memref<16x64xf32, #tpu.memory_space<vmem>>[vector<16xi32>, vector<16xi32>], vector<16xf32>,
        %sub3A_263 = arith.subf %gather3A_261, %gather3A_262 : vector<16xf32>
        %gather3A_264 = tpu.vector_load_idx %arg14[%iota3A, %broadcast_in_dim3A_260] : memref<16x64xf32, #tpu.memory_space<vmem>>[vector<16xi32>, vector<16xi32>], vector<16xf32>,
        %sub3A_265 = arith.subf %gather3A_261, %gather3A_264 : vector<16xf32>
        %mul3A_266 = arith.mulf %sub3A_263, %sub3A_263 : vector<16xf32>
        %add3A_267 = arith.addf %add3A_256, %mul3A_266 : vector<16xf32>
        %mul3A_268 = arith.mulf %sub3A_265, %sub3A_265 : vector<16xf32>
        %add3A_269 = arith.addf %add3A_258, %mul3A_268 : vector<16xf32>
        %broadcast_in_dim3A_270 = arith.constant 18 : i32
        %broadcast_in_dim3A_271 = vector.broadcast %broadcast_in_dim3A_270 : i32 to vector<16xi32>
        %gather3A_272 = tpu.vector_load_idx %arg12[%iota3A, %broadcast_in_dim3A_271] : memref<16x64xf32, #tpu.memory_space<vmem>>[vector<16xi32>, vector<16xi32>], vector<16xf32>,
        %gather3A_273 = tpu.vector_load_idx %arg13[%iota3A, %broadcast_in_dim3A_271] : memref<16x64xf32, #tpu.memory_space<vmem>>[vector<16xi32>, vector<16xi32>], vector<16xf32>,
        %sub3A_274 = arith.subf %gather3A_272, %gather3A_273 : vector<16xf32>
        %gather3A_275 = tpu.vector_load_idx %arg14[%iota3A, %broadcast_in_dim3A_271] : memref<16x64xf32, #tpu.memory_space<vmem>>[vector<16xi32>, vector<16xi32>], vector<16xf32>,
        %sub3A_276 = arith.subf %gather3A_272, %gather3A_275 : vector<16xf32>
        %mul3A_277 = arith.mulf %sub3A_274, %sub3A_274 : vector<16xf32>
        %add3A_278 = arith.addf %add3A_267, %mul3A_277 : vector<16xf32>
        %mul3A_279 = arith.mulf %sub3A_276, %sub3A_276 : vector<16xf32>
        %add3A_280 = arith.addf %add3A_269, %mul3A_279 : vector<16xf32>
        %broadcast_in_dim3A_281 = arith.constant 19 : i32
        %broadcast_in_dim3A_282 = vector.broadcast %broadcast_in_dim3A_281 : i32 to vector<16xi32>
        %gather3A_283 = tpu.vector_load_idx %arg12[%iota3A, %broadcast_in_dim3A_282] : memref<16x64xf32, #tpu.memory_space<vmem>>[vector<16xi32>, vector<16xi32>], vector<16xf32>,
        %gather3A_284 = tpu.vector_load_idx %arg13[%iota3A, %broadcast_in_dim3A_282] : memref<16x64xf32, #tpu.memory_space<vmem>>[vector<16xi32>, vector<16xi32>], vector<16xf32>,
        %sub3A_285 = arith.subf %gather3A_283, %gather3A_284 : vector<16xf32>
        %gather3A_286 = tpu.vector_load_idx %arg14[%iota3A, %broadcast_in_dim3A_282] : memref<16x64xf32, #tpu.memory_space<vmem>>[vector<16xi32>, vector<16xi32>], vector<16xf32>,
        %sub3A_287 = arith.subf %gather3A_283, %gather3A_286 : vector<16xf32>
        %mul3A_288 = arith.mulf %sub3A_285, %sub3A_285 : vector<16xf32>
        %add3A_289 = arith.addf %add3A_278, %mul3A_288 : vector<16xf32>
        %mul3A_290 = arith.mulf %sub3A_287, %sub3A_287 : vector<16xf32>
        %add3A_291 = arith.addf %add3A_280, %mul3A_290 : vector<16xf32>
        %broadcast_in_dim3A_292 = arith.constant 20 : i32
        %broadcast_in_dim3A_293 = vector.broadcast %broadcast_in_dim3A_292 : i32 to vector<16xi32>
        %gather3A_294 = tpu.vector_load_idx %arg12[%iota3A, %broadcast_in_dim3A_293] : memref<16x64xf32, #tpu.memory_space<vmem>>[vector<16xi32>, vector<16xi32>], vector<16xf32>,
        %gather3A_295 = tpu.vector_load_idx %arg13[%iota3A, %broadcast_in_dim3A_293] : memref<16x64xf32, #tpu.memory_space<vmem>>[vector<16xi32>, vector<16xi32>], vector<16xf32>,
        %sub3A_296 = arith.subf %gather3A_294, %gather3A_295 : vector<16xf32>
        %gather3A_297 = tpu.vector_load_idx %arg14[%iota3A, %broadcast_in_dim3A_293] : memref<16x64xf32, #tpu.memory_space<vmem>>[vector<16xi32>, vector<16xi32>], vector<16xf32>,
        %sub3A_298 = arith.subf %gather3A_294, %gather3A_297 : vector<16xf32>
        %mul3A_299 = arith.mulf %sub3A_296, %sub3A_296 : vector<16xf32>
        %add3A_300 = arith.addf %add3A_289, %mul3A_299 : vector<16xf32>
        %mul3A_301 = arith.mulf %sub3A_298, %sub3A_298 : vector<16xf32>
        %add3A_302 = arith.addf %add3A_291, %mul3A_301 : vector<16xf32>
        %broadcast_in_dim3A_303 = arith.constant 21 : i32
        %broadcast_in_dim3A_304 = vector.broadcast %broadcast_in_dim3A_303 : i32 to vector<16xi32>
        %gather3A_305 = tpu.vector_load_idx %arg12[%iota3A, %broadcast_in_dim3A_304] : memref<16x64xf32, #tpu.memory_space<vmem>>[vector<16xi32>, vector<16xi32>], vector<16xf32>,
        %gather3A_306 = tpu.vector_load_idx %arg13[%iota3A, %broadcast_in_dim3A_304] : memref<16x64xf32, #tpu.memory_space<vmem>>[vector<16xi32>, vector<16xi32>], vector<16xf32>,
        %sub3A_307 = arith.subf %gather3A_305, %gather3A_306 : vector<16xf32>
        %gather3A_308 = tpu.vector_load_idx %arg14[%iota3A, %broadcast_in_dim3A_304] : memref<16x64xf32, #tpu.memory_space<vmem>>[vector<16xi32>, vector<16xi32>], vector<16xf32>,
        %sub3A_309 = arith.subf %gather3A_305, %gather3A_308 : vector<16xf32>
        %mul3A_310 = arith.mulf %sub3A_307, %sub3A_307 : vector<16xf32>
        %add3A_311 = arith.addf %add3A_300, %mul3A_310 : vector<16xf32>
        %mul3A_312 = arith.mulf %sub3A_309, %sub3A_309 : vector<16xf32>
        %add3A_313 = arith.addf %add3A_302, %mul3A_312 : vector<16xf32>
        %broadcast_in_dim3A_314 = arith.constant 22 : i32
        %broadcast_in_dim3A_315 = vector.broadcast %broadcast_in_dim3A_314 : i32 to vector<16xi32>
        %gather3A_316 = tpu.vector_load_idx %arg12[%iota3A, %broadcast_in_dim3A_315] : memref<16x64xf32, #tpu.memory_space<vmem>>[vector<16xi32>, vector<16xi32>], vector<16xf32>,
        %gather3A_317 = tpu.vector_load_idx %arg13[%iota3A, %broadcast_in_dim3A_315] : memref<16x64xf32, #tpu.memory_space<vmem>>[vector<16xi32>, vector<16xi32>], vector<16xf32>,
        %sub3A_318 = arith.subf %gather3A_316, %gather3A_317 : vector<16xf32>
        %gather3A_319 = tpu.vector_load_idx %arg14[%iota3A, %broadcast_in_dim3A_315] : memref<16x64xf32, #tpu.memory_space<vmem>>[vector<16xi32>, vector<16xi32>], vector<16xf32>,
        %sub3A_320 = arith.subf %gather3A_316, %gather3A_319 : vector<16xf32>
        %mul3A_321 = arith.mulf %sub3A_318, %sub3A_318 : vector<16xf32>
        %add3A_322 = arith.addf %add3A_311, %mul3A_321 : vector<16xf32>
        %mul3A_323 = arith.mulf %sub3A_320, %sub3A_320 : vector<16xf32>
        %add3A_324 = arith.addf %add3A_313, %mul3A_323 : vector<16xf32>
        %broadcast_in_dim3A_325 = arith.constant 23 : i32
        %broadcast_in_dim3A_326 = vector.broadcast %broadcast_in_dim3A_325 : i32 to vector<16xi32>
        %gather3A_327 = tpu.vector_load_idx %arg12[%iota3A, %broadcast_in_dim3A_326] : memref<16x64xf32, #tpu.memory_space<vmem>>[vector<16xi32>, vector<16xi32>], vector<16xf32>,
        %gather3A_328 = tpu.vector_load_idx %arg13[%iota3A, %broadcast_in_dim3A_326] : memref<16x64xf32, #tpu.memory_space<vmem>>[vector<16xi32>, vector<16xi32>], vector<16xf32>,
        %sub3A_329 = arith.subf %gather3A_327, %gather3A_328 : vector<16xf32>
        %gather3A_330 = tpu.vector_load_idx %arg14[%iota3A, %broadcast_in_dim3A_326] : memref<16x64xf32, #tpu.memory_space<vmem>>[vector<16xi32>, vector<16xi32>], vector<16xf32>,
        %sub3A_331 = arith.subf %gather3A_327, %gather3A_330 : vector<16xf32>
        %mul3A_332 = arith.mulf %sub3A_329, %sub3A_329 : vector<16xf32>
        %add3A_333 = arith.addf %add3A_322, %mul3A_332 : vector<16xf32>
        %mul3A_334 = arith.mulf %sub3A_331, %sub3A_331 : vector<16xf32>
        %add3A_335 = arith.addf %add3A_324, %mul3A_334 : vector<16xf32>
        %broadcast_in_dim3A_336 = arith.constant 24 : i32
        %broadcast_in_dim3A_337 = vector.broadcast %broadcast_in_dim3A_336 : i32 to vector<16xi32>
        %gather3A_338 = tpu.vector_load_idx %arg12[%iota3A, %broadcast_in_dim3A_337] : memref<16x64xf32, #tpu.memory_space<vmem>>[vector<16xi32>, vector<16xi32>], vector<16xf32>,
        %gather3A_339 = tpu.vector_load_idx %arg13[%iota3A, %broadcast_in_dim3A_337] : memref<16x64xf32, #tpu.memory_space<vmem>>[vector<16xi32>, vector<16xi32>], vector<16xf32>,
        %sub3A_340 = arith.subf %gather3A_338, %gather3A_339 : vector<16xf32>
        %gather3A_341 = tpu.vector_load_idx %arg14[%iota3A, %broadcast_in_dim3A_337] : memref<16x64xf32, #tpu.memory_space<vmem>>[vector<16xi32>, vector<16xi32>], vector<16xf32>,
        %sub3A_342 = arith.subf %gather3A_338, %gather3A_341 : vector<16xf32>
        %mul3A_343 = arith.mulf %sub3A_340, %sub3A_340 : vector<16xf32>
        %add3A_344 = arith.addf %add3A_333, %mul3A_343 : vector<16xf32>
        %mul3A_345 = arith.mulf %sub3A_342, %sub3A_342 : vector<16xf32>
        %add3A_346 = arith.addf %add3A_335, %mul3A_345 : vector<16xf32>
        %broadcast_in_dim3A_347 = arith.constant 25 : i32
        %broadcast_in_dim3A_348 = vector.broadcast %broadcast_in_dim3A_347 : i32 to vector<16xi32>
        %gather3A_349 = tpu.vector_load_idx %arg12[%iota3A, %broadcast_in_dim3A_348] : memref<16x64xf32, #tpu.memory_space<vmem>>[vector<16xi32>, vector<16xi32>], vector<16xf32>,
        %gather3A_350 = tpu.vector_load_idx %arg13[%iota3A, %broadcast_in_dim3A_348] : memref<16x64xf32, #tpu.memory_space<vmem>>[vector<16xi32>, vector<16xi32>], vector<16xf32>,
        %sub3A_351 = arith.subf %gather3A_349, %gather3A_350 : vector<16xf32>
        %gather3A_352 = tpu.vector_load_idx %arg14[%iota3A, %broadcast_in_dim3A_348] : memref<16x64xf32, #tpu.memory_space<vmem>>[vector<16xi32>, vector<16xi32>], vector<16xf32>,
        %sub3A_353 = arith.subf %gather3A_349, %gather3A_352 : vector<16xf32>
        %mul3A_354 = arith.mulf %sub3A_351, %sub3A_351 : vector<16xf32>
        %add3A_355 = arith.addf %add3A_344, %mul3A_354 : vector<16xf32>
        %mul3A_356 = arith.mulf %sub3A_353, %sub3A_353 : vector<16xf32>
        %add3A_357 = arith.addf %add3A_346, %mul3A_356 : vector<16xf32>
        %broadcast_in_dim3A_358 = arith.constant 26 : i32
        %broadcast_in_dim3A_359 = vector.broadcast %broadcast_in_dim3A_358 : i32 to vector<16xi32>
        %gather3A_360 = tpu.vector_load_idx %arg12[%iota3A, %broadcast_in_dim3A_359] : memref<16x64xf32, #tpu.memory_space<vmem>>[vector<16xi32>, vector<16xi32>], vector<16xf32>,
        %gather3A_361 = tpu.vector_load_idx %arg13[%iota3A, %broadcast_in_dim3A_359] : memref<16x64xf32, #tpu.memory_space<vmem>>[vector<16xi32>, vector<16xi32>], vector<16xf32>,
        %sub3A_362 = arith.subf %gather3A_360, %gather3A_361 : vector<16xf32>
        %gather3A_363 = tpu.vector_load_idx %arg14[%iota3A, %broadcast_in_dim3A_359] : memref<16x64xf32, #tpu.memory_space<vmem>>[vector<16xi32>, vector<16xi32>], vector<16xf32>,
        %sub3A_364 = arith.subf %gather3A_360, %gather3A_363 : vector<16xf32>
        %mul3A_365 = arith.mulf %sub3A_362, %sub3A_362 : vector<16xf32>
        %add3A_366 = arith.addf %add3A_355, %mul3A_365 : vector<16xf32>
        %mul3A_367 = arith.mulf %sub3A_364, %sub3A_364 : vector<16xf32>
        %add3A_368 = arith.addf %add3A_357, %mul3A_367 : vector<16xf32>
        %broadcast_in_dim3A_369 = arith.constant 27 : i32
        %broadcast_in_dim3A_370 = vector.broadcast %broadcast_in_dim3A_369 : i32 to vector<16xi32>
        %gather3A_371 = tpu.vector_load_idx %arg12[%iota3A, %broadcast_in_dim3A_370] : memref<16x64xf32, #tpu.memory_space<vmem>>[vector<16xi32>, vector<16xi32>], vector<16xf32>,
        %gather3A_372 = tpu.vector_load_idx %arg13[%iota3A, %broadcast_in_dim3A_370] : memref<16x64xf32, #tpu.memory_space<vmem>>[vector<16xi32>, vector<16xi32>], vector<16xf32>,
        %sub3A_373 = arith.subf %gather3A_371, %gather3A_372 : vector<16xf32>
        %gather3A_374 = tpu.vector_load_idx %arg14[%iota3A, %broadcast_in_dim3A_370] : memref<16x64xf32, #tpu.memory_space<vmem>>[vector<16xi32>, vector<16xi32>], vector<16xf32>,
        %sub3A_375 = arith.subf %gather3A_371, %gather3A_374 : vector<16xf32>
        %mul3A_376 = arith.mulf %sub3A_373, %sub3A_373 : vector<16xf32>
        %add3A_377 = arith.addf %add3A_366, %mul3A_376 : vector<16xf32>
        %mul3A_378 = arith.mulf %sub3A_375, %sub3A_375 : vector<16xf32>
        %add3A_379 = arith.addf %add3A_368, %mul3A_378 : vector<16xf32>
        %broadcast_in_dim3A_380 = arith.constant 28 : i32
        %broadcast_in_dim3A_381 = vector.broadcast %broadcast_in_dim3A_380 : i32 to vector<16xi32>
        %gather3A_382 = tpu.vector_load_idx %arg12[%iota3A, %broadcast_in_dim3A_381] : memref<16x64xf32, #tpu.memory_space<vmem>>[vector<16xi32>, vector<16xi32>], vector<16xf32>,
        %gather3A_383 = tpu.vector_load_idx %arg13[%iota3A, %broadcast_in_dim3A_381] : memref<16x64xf32, #tpu.memory_space<vmem>>[vector<16xi32>, vector<16xi32>], vector<16xf32>,
        %sub3A_384 = arith.subf %gather3A_382, %gather3A_383 : vector<16xf32>
        %gather3A_385 = tpu.vector_load_idx %arg14[%iota3A, %broadcast_in_dim3A_381] : memref<16x64xf32, #tpu.memory_space<vmem>>[vector<16xi32>, vector<16xi32>], vector<16xf32>,
        %sub3A_386 = arith.subf %gather3A_382, %gather3A_385 : vector<16xf32>
        %mul3A_387 = arith.mulf %sub3A_384, %sub3A_384 : vector<16xf32>
        %add3A_388 = arith.addf %add3A_377, %mul3A_387 : vector<16xf32>
        %mul3A_389 = arith.mulf %sub3A_386, %sub3A_386 : vector<16xf32>
        %add3A_390 = arith.addf %add3A_379, %mul3A_389 : vector<16xf32>
        %broadcast_in_dim3A_391 = arith.constant 29 : i32
        %broadcast_in_dim3A_392 = vector.broadcast %broadcast_in_dim3A_391 : i32 to vector<16xi32>
        %gather3A_393 = tpu.vector_load_idx %arg12[%iota3A, %broadcast_in_dim3A_392] : memref<16x64xf32, #tpu.memory_space<vmem>>[vector<16xi32>, vector<16xi32>], vector<16xf32>,
        %gather3A_394 = tpu.vector_load_idx %arg13[%iota3A, %broadcast_in_dim3A_392] : memref<16x64xf32, #tpu.memory_space<vmem>>[vector<16xi32>, vector<16xi32>], vector<16xf32>,
        %sub3A_395 = arith.subf %gather3A_393, %gather3A_394 : vector<16xf32>
        %gather3A_396 = tpu.vector_load_idx %arg14[%iota3A, %broadcast_in_dim3A_392] : memref<16x64xf32, #tpu.memory_space<vmem>>[vector<16xi32>, vector<16xi32>], vector<16xf32>,
        %sub3A_397 = arith.subf %gather3A_393, %gather3A_396 : vector<16xf32>
        %mul3A_398 = arith.mulf %sub3A_395, %sub3A_395 : vector<16xf32>
        %add3A_399 = arith.addf %add3A_388, %mul3A_398 : vector<16xf32>
        %mul3A_400 = arith.mulf %sub3A_397, %sub3A_397 : vector<16xf32>
        %add3A_401 = arith.addf %add3A_390, %mul3A_400 : vector<16xf32>
        %broadcast_in_dim3A_402 = arith.constant 30 : i32
        %broadcast_in_dim3A_403 = vector.broadcast %broadcast_in_dim3A_402 : i32 to vector<16xi32>
        %gather3A_404 = tpu.vector_load_idx %arg12[%iota3A, %broadcast_in_dim3A_403] : memref<16x64xf32, #tpu.memory_space<vmem>>[vector<16xi32>, vector<16xi32>], vector<16xf32>,
        %gather3A_405 = tpu.vector_load_idx %arg13[%iota3A, %broadcast_in_dim3A_403] : memref<16x64xf32, #tpu.memory_space<vmem>>[vector<16xi32>, vector<16xi32>], vector<16xf32>,
        %sub3A_406 = arith.subf %gather3A_404, %gather3A_405 : vector<16xf32>
        %gather3A_407 = tpu.vector_load_idx %arg14[%iota3A, %broadcast_in_dim3A_403] : memref<16x64xf32, #tpu.memory_space<vmem>>[vector<16xi32>, vector<16xi32>], vector<16xf32>,
        %sub3A_408 = arith.subf %gather3A_404, %gather3A_407 : vector<16xf32>
        %mul3A_409 = arith.mulf %sub3A_406, %sub3A_406 : vector<16xf32>
        %add3A_410 = arith.addf %add3A_399, %mul3A_409 : vector<16xf32>
        %mul3A_411 = arith.mulf %sub3A_408, %sub3A_408 : vector<16xf32>
        %add3A_412 = arith.addf %add3A_401, %mul3A_411 : vector<16xf32>
        %broadcast_in_dim3A_413 = arith.constant 31 : i32
        %broadcast_in_dim3A_414 = vector.broadcast %broadcast_in_dim3A_413 : i32 to vector<16xi32>
        %gather3A_415 = tpu.vector_load_idx %arg12[%iota3A, %broadcast_in_dim3A_414] : memref<16x64xf32, #tpu.memory_space<vmem>>[vector<16xi32>, vector<16xi32>], vector<16xf32>,
        %gather3A_416 = tpu.vector_load_idx %arg13[%iota3A, %broadcast_in_dim3A_414] : memref<16x64xf32, #tpu.memory_space<vmem>>[vector<16xi32>, vector<16xi32>], vector<16xf32>,
        %sub3A_417 = arith.subf %gather3A_415, %gather3A_416 : vector<16xf32>
        %gather3A_418 = tpu.vector_load_idx %arg14[%iota3A, %broadcast_in_dim3A_414] : memref<16x64xf32, #tpu.memory_space<vmem>>[vector<16xi32>, vector<16xi32>], vector<16xf32>,
        %sub3A_419 = arith.subf %gather3A_415, %gather3A_418 : vector<16xf32>
        %mul3A_420 = arith.mulf %sub3A_417, %sub3A_417 : vector<16xf32>
        %add3A_421 = arith.addf %add3A_410, %mul3A_420 : vector<16xf32>
        %mul3A_422 = arith.mulf %sub3A_419, %sub3A_419 : vector<16xf32>
        %add3A_423 = arith.addf %add3A_412, %mul3A_422 : vector<16xf32>
        %broadcast_in_dim3A_424 = arith.constant 32 : i32
        %broadcast_in_dim3A_425 = vector.broadcast %broadcast_in_dim3A_424 : i32 to vector<16xi32>
        %gather3A_426 = tpu.vector_load_idx %arg12[%iota3A, %broadcast_in_dim3A_425] : memref<16x64xf32, #tpu.memory_space<vmem>>[vector<16xi32>, vector<16xi32>], vector<16xf32>,
        %gather3A_427 = tpu.vector_load_idx %arg13[%iota3A, %broadcast_in_dim3A_425] : memref<16x64xf32, #tpu.memory_space<vmem>>[vector<16xi32>, vector<16xi32>], vector<16xf32>,
        %sub3A_428 = arith.subf %gather3A_426, %gather3A_427 : vector<16xf32>
        %gather3A_429 = tpu.vector_load_idx %arg14[%iota3A, %broadcast_in_dim3A_425] : memref<16x64xf32, #tpu.memory_space<vmem>>[vector<16xi32>, vector<16xi32>], vector<16xf32>,
        %sub3A_430 = arith.subf %gather3A_426, %gather3A_429 : vector<16xf32>
        %mul3A_431 = arith.mulf %sub3A_428, %sub3A_428 : vector<16xf32>
        %add3A_432 = arith.addf %add3A_421, %mul3A_431 : vector<16xf32>
        %mul3A_433 = arith.mulf %sub3A_430, %sub3A_430 : vector<16xf32>
        %add3A_434 = arith.addf %add3A_423, %mul3A_433 : vector<16xf32>
        %broadcast_in_dim3A_435 = arith.constant 33 : i32
        %broadcast_in_dim3A_436 = vector.broadcast %broadcast_in_dim3A_435 : i32 to vector<16xi32>
        %gather3A_437 = tpu.vector_load_idx %arg12[%iota3A, %broadcast_in_dim3A_436] : memref<16x64xf32, #tpu.memory_space<vmem>>[vector<16xi32>, vector<16xi32>], vector<16xf32>,
        %gather3A_438 = tpu.vector_load_idx %arg13[%iota3A, %broadcast_in_dim3A_436] : memref<16x64xf32, #tpu.memory_space<vmem>>[vector<16xi32>, vector<16xi32>], vector<16xf32>,
        %sub3A_439 = arith.subf %gather3A_437, %gather3A_438 : vector<16xf32>
        %gather3A_440 = tpu.vector_load_idx %arg14[%iota3A, %broadcast_in_dim3A_436] : memref<16x64xf32, #tpu.memory_space<vmem>>[vector<16xi32>, vector<16xi32>], vector<16xf32>,
        %sub3A_441 = arith.subf %gather3A_437, %gather3A_440 : vector<16xf32>
        %mul3A_442 = arith.mulf %sub3A_439, %sub3A_439 : vector<16xf32>
        %add3A_443 = arith.addf %add3A_432, %mul3A_442 : vector<16xf32>
        %mul3A_444 = arith.mulf %sub3A_441, %sub3A_441 : vector<16xf32>
        %add3A_445 = arith.addf %add3A_434, %mul3A_444 : vector<16xf32>
        %broadcast_in_dim3A_446 = arith.constant 34 : i32
        %broadcast_in_dim3A_447 = vector.broadcast %broadcast_in_dim3A_446 : i32 to vector<16xi32>
        %gather3A_448 = tpu.vector_load_idx %arg12[%iota3A, %broadcast_in_dim3A_447] : memref<16x64xf32, #tpu.memory_space<vmem>>[vector<16xi32>, vector<16xi32>], vector<16xf32>,
        %gather3A_449 = tpu.vector_load_idx %arg13[%iota3A, %broadcast_in_dim3A_447] : memref<16x64xf32, #tpu.memory_space<vmem>>[vector<16xi32>, vector<16xi32>], vector<16xf32>,
        %sub3A_450 = arith.subf %gather3A_448, %gather3A_449 : vector<16xf32>
        %gather3A_451 = tpu.vector_load_idx %arg14[%iota3A, %broadcast_in_dim3A_447] : memref<16x64xf32, #tpu.memory_space<vmem>>[vector<16xi32>, vector<16xi32>], vector<16xf32>,
        %sub3A_452 = arith.subf %gather3A_448, %gather3A_451 : vector<16xf32>
        %mul3A_453 = arith.mulf %sub3A_450, %sub3A_450 : vector<16xf32>
        %add3A_454 = arith.addf %add3A_443, %mul3A_453 : vector<16xf32>
        %mul3A_455 = arith.mulf %sub3A_452, %sub3A_452 : vector<16xf32>
        %add3A_456 = arith.addf %add3A_445, %mul3A_455 : vector<16xf32>
        %broadcast_in_dim3A_457 = arith.constant 35 : i32
        %broadcast_in_dim3A_458 = vector.broadcast %broadcast_in_dim3A_457 : i32 to vector<16xi32>
        %gather3A_459 = tpu.vector_load_idx %arg12[%iota3A, %broadcast_in_dim3A_458] : memref<16x64xf32, #tpu.memory_space<vmem>>[vector<16xi32>, vector<16xi32>], vector<16xf32>,
        %gather3A_460 = tpu.vector_load_idx %arg13[%iota3A, %broadcast_in_dim3A_458] : memref<16x64xf32, #tpu.memory_space<vmem>>[vector<16xi32>, vector<16xi32>], vector<16xf32>,
        %sub3A_461 = arith.subf %gather3A_459, %gather3A_460 : vector<16xf32>
        %gather3A_462 = tpu.vector_load_idx %arg14[%iota3A, %broadcast_in_dim3A_458] : memref<16x64xf32, #tpu.memory_space<vmem>>[vector<16xi32>, vector<16xi32>], vector<16xf32>,
        %sub3A_463 = arith.subf %gather3A_459, %gather3A_462 : vector<16xf32>
        %mul3A_464 = arith.mulf %sub3A_461, %sub3A_461 : vector<16xf32>
        %add3A_465 = arith.addf %add3A_454, %mul3A_464 : vector<16xf32>
        %mul3A_466 = arith.mulf %sub3A_463, %sub3A_463 : vector<16xf32>
        %add3A_467 = arith.addf %add3A_456, %mul3A_466 : vector<16xf32>
        %broadcast_in_dim3A_468 = arith.constant 36 : i32
        %broadcast_in_dim3A_469 = vector.broadcast %broadcast_in_dim3A_468 : i32 to vector<16xi32>
        %gather3A_470 = tpu.vector_load_idx %arg12[%iota3A, %broadcast_in_dim3A_469] : memref<16x64xf32, #tpu.memory_space<vmem>>[vector<16xi32>, vector<16xi32>], vector<16xf32>,
        %gather3A_471 = tpu.vector_load_idx %arg13[%iota3A, %broadcast_in_dim3A_469] : memref<16x64xf32, #tpu.memory_space<vmem>>[vector<16xi32>, vector<16xi32>], vector<16xf32>,
        %sub3A_472 = arith.subf %gather3A_470, %gather3A_471 : vector<16xf32>
        %gather3A_473 = tpu.vector_load_idx %arg14[%iota3A, %broadcast_in_dim3A_469] : memref<16x64xf32, #tpu.memory_space<vmem>>[vector<16xi32>, vector<16xi32>], vector<16xf32>,
        %sub3A_474 = arith.subf %gather3A_470, %gather3A_473 : vector<16xf32>
        %mul3A_475 = arith.mulf %sub3A_472, %sub3A_472 : vector<16xf32>
        %add3A_476 = arith.addf %add3A_465, %mul3A_475 : vector<16xf32>
        %mul3A_477 = arith.mulf %sub3A_474, %sub3A_474 : vector<16xf32>
        %add3A_478 = arith.addf %add3A_467, %mul3A_477 : vector<16xf32>
        %broadcast_in_dim3A_479 = arith.constant 37 : i32
        %broadcast_in_dim3A_480 = vector.broadcast %broadcast_in_dim3A_479 : i32 to vector<16xi32>
        %gather3A_481 = tpu.vector_load_idx %arg12[%iota3A, %broadcast_in_dim3A_480] : memref<16x64xf32, #tpu.memory_space<vmem>>[vector<16xi32>, vector<16xi32>], vector<16xf32>,
        %gather3A_482 = tpu.vector_load_idx %arg13[%iota3A, %broadcast_in_dim3A_480] : memref<16x64xf32, #tpu.memory_space<vmem>>[vector<16xi32>, vector<16xi32>], vector<16xf32>,
        %sub3A_483 = arith.subf %gather3A_481, %gather3A_482 : vector<16xf32>
        %gather3A_484 = tpu.vector_load_idx %arg14[%iota3A, %broadcast_in_dim3A_480] : memref<16x64xf32, #tpu.memory_space<vmem>>[vector<16xi32>, vector<16xi32>], vector<16xf32>,
        %sub3A_485 = arith.subf %gather3A_481, %gather3A_484 : vector<16xf32>
        %mul3A_486 = arith.mulf %sub3A_483, %sub3A_483 : vector<16xf32>
        %add3A_487 = arith.addf %add3A_476, %mul3A_486 : vector<16xf32>
        %mul3A_488 = arith.mulf %sub3A_485, %sub3A_485 : vector<16xf32>
        %add3A_489 = arith.addf %add3A_478, %mul3A_488 : vector<16xf32>
        %broadcast_in_dim3A_490 = arith.constant 38 : i32
        %broadcast_in_dim3A_491 = vector.broadcast %broadcast_in_dim3A_490 : i32 to vector<16xi32>
        %gather3A_492 = tpu.vector_load_idx %arg12[%iota3A, %broadcast_in_dim3A_491] : memref<16x64xf32, #tpu.memory_space<vmem>>[vector<16xi32>, vector<16xi32>], vector<16xf32>,
        %gather3A_493 = tpu.vector_load_idx %arg13[%iota3A, %broadcast_in_dim3A_491] : memref<16x64xf32, #tpu.memory_space<vmem>>[vector<16xi32>, vector<16xi32>], vector<16xf32>,
        %sub3A_494 = arith.subf %gather3A_492, %gather3A_493 : vector<16xf32>
        %gather3A_495 = tpu.vector_load_idx %arg14[%iota3A, %broadcast_in_dim3A_491] : memref<16x64xf32, #tpu.memory_space<vmem>>[vector<16xi32>, vector<16xi32>], vector<16xf32>,
        %sub3A_496 = arith.subf %gather3A_492, %gather3A_495 : vector<16xf32>
        %mul3A_497 = arith.mulf %sub3A_494, %sub3A_494 : vector<16xf32>
        %add3A_498 = arith.addf %add3A_487, %mul3A_497 : vector<16xf32>
        %mul3A_499 = arith.mulf %sub3A_496, %sub3A_496 : vector<16xf32>
        %add3A_500 = arith.addf %add3A_489, %mul3A_499 : vector<16xf32>
        %broadcast_in_dim3A_501 = arith.constant 39 : i32
        %broadcast_in_dim3A_502 = vector.broadcast %broadcast_in_dim3A_501 : i32 to vector<16xi32>
        %gather3A_503 = tpu.vector_load_idx %arg12[%iota3A, %broadcast_in_dim3A_502] : memref<16x64xf32, #tpu.memory_space<vmem>>[vector<16xi32>, vector<16xi32>], vector<16xf32>,
        %gather3A_504 = tpu.vector_load_idx %arg13[%iota3A, %broadcast_in_dim3A_502] : memref<16x64xf32, #tpu.memory_space<vmem>>[vector<16xi32>, vector<16xi32>], vector<16xf32>,
        %sub3A_505 = arith.subf %gather3A_503, %gather3A_504 : vector<16xf32>
        %gather3A_506 = tpu.vector_load_idx %arg14[%iota3A, %broadcast_in_dim3A_502] : memref<16x64xf32, #tpu.memory_space<vmem>>[vector<16xi32>, vector<16xi32>], vector<16xf32>,
        %sub3A_507 = arith.subf %gather3A_503, %gather3A_506 : vector<16xf32>
        %mul3A_508 = arith.mulf %sub3A_505, %sub3A_505 : vector<16xf32>
        %add3A_509 = arith.addf %add3A_498, %mul3A_508 : vector<16xf32>
        %mul3A_510 = arith.mulf %sub3A_507, %sub3A_507 : vector<16xf32>
        %add3A_511 = arith.addf %add3A_500, %mul3A_510 : vector<16xf32>
        %broadcast_in_dim3A_512 = arith.constant 40 : i32
        %broadcast_in_dim3A_513 = vector.broadcast %broadcast_in_dim3A_512 : i32 to vector<16xi32>
        %gather3A_514 = tpu.vector_load_idx %arg12[%iota3A, %broadcast_in_dim3A_513] : memref<16x64xf32, #tpu.memory_space<vmem>>[vector<16xi32>, vector<16xi32>], vector<16xf32>,
        %gather3A_515 = tpu.vector_load_idx %arg13[%iota3A, %broadcast_in_dim3A_513] : memref<16x64xf32, #tpu.memory_space<vmem>>[vector<16xi32>, vector<16xi32>], vector<16xf32>,
        %sub3A_516 = arith.subf %gather3A_514, %gather3A_515 : vector<16xf32>
        %gather3A_517 = tpu.vector_load_idx %arg14[%iota3A, %broadcast_in_dim3A_513] : memref<16x64xf32, #tpu.memory_space<vmem>>[vector<16xi32>, vector<16xi32>], vector<16xf32>,
        %sub3A_518 = arith.subf %gather3A_514, %gather3A_517 : vector<16xf32>
        %mul3A_519 = arith.mulf %sub3A_516, %sub3A_516 : vector<16xf32>
        %add3A_520 = arith.addf %add3A_509, %mul3A_519 : vector<16xf32>
        %mul3A_521 = arith.mulf %sub3A_518, %sub3A_518 : vector<16xf32>
        %add3A_522 = arith.addf %add3A_511, %mul3A_521 : vector<16xf32>
        %broadcast_in_dim3A_523 = arith.constant 41 : i32
        %broadcast_in_dim3A_524 = vector.broadcast %broadcast_in_dim3A_523 : i32 to vector<16xi32>
        %gather3A_525 = tpu.vector_load_idx %arg12[%iota3A, %broadcast_in_dim3A_524] : memref<16x64xf32, #tpu.memory_space<vmem>>[vector<16xi32>, vector<16xi32>], vector<16xf32>,
        %gather3A_526 = tpu.vector_load_idx %arg13[%iota3A, %broadcast_in_dim3A_524] : memref<16x64xf32, #tpu.memory_space<vmem>>[vector<16xi32>, vector<16xi32>], vector<16xf32>,
        %sub3A_527 = arith.subf %gather3A_525, %gather3A_526 : vector<16xf32>
        %gather3A_528 = tpu.vector_load_idx %arg14[%iota3A, %broadcast_in_dim3A_524] : memref<16x64xf32, #tpu.memory_space<vmem>>[vector<16xi32>, vector<16xi32>], vector<16xf32>,
        %sub3A_529 = arith.subf %gather3A_525, %gather3A_528 : vector<16xf32>
        %mul3A_530 = arith.mulf %sub3A_527, %sub3A_527 : vector<16xf32>
        %add3A_531 = arith.addf %add3A_520, %mul3A_530 : vector<16xf32>
        %mul3A_532 = arith.mulf %sub3A_529, %sub3A_529 : vector<16xf32>
        %add3A_533 = arith.addf %add3A_522, %mul3A_532 : vector<16xf32>
        %broadcast_in_dim3A_534 = arith.constant 42 : i32
        %broadcast_in_dim3A_535 = vector.broadcast %broadcast_in_dim3A_534 : i32 to vector<16xi32>
        %gather3A_536 = tpu.vector_load_idx %arg12[%iota3A, %broadcast_in_dim3A_535] : memref<16x64xf32, #tpu.memory_space<vmem>>[vector<16xi32>, vector<16xi32>], vector<16xf32>,
        %gather3A_537 = tpu.vector_load_idx %arg13[%iota3A, %broadcast_in_dim3A_535] : memref<16x64xf32, #tpu.memory_space<vmem>>[vector<16xi32>, vector<16xi32>], vector<16xf32>,
        %sub3A_538 = arith.subf %gather3A_536, %gather3A_537 : vector<16xf32>
        %gather3A_539 = tpu.vector_load_idx %arg14[%iota3A, %broadcast_in_dim3A_535] : memref<16x64xf32, #tpu.memory_space<vmem>>[vector<16xi32>, vector<16xi32>], vector<16xf32>,
        %sub3A_540 = arith.subf %gather3A_536, %gather3A_539 : vector<16xf32>
        %mul3A_541 = arith.mulf %sub3A_538, %sub3A_538 : vector<16xf32>
        %add3A_542 = arith.addf %add3A_531, %mul3A_541 : vector<16xf32>
        %mul3A_543 = arith.mulf %sub3A_540, %sub3A_540 : vector<16xf32>
        %add3A_544 = arith.addf %add3A_533, %mul3A_543 : vector<16xf32>
        %broadcast_in_dim3A_545 = arith.constant 43 : i32
        %broadcast_in_dim3A_546 = vector.broadcast %broadcast_in_dim3A_545 : i32 to vector<16xi32>
        %gather3A_547 = tpu.vector_load_idx %arg12[%iota3A, %broadcast_in_dim3A_546] : memref<16x64xf32, #tpu.memory_space<vmem>>[vector<16xi32>, vector<16xi32>], vector<16xf32>,
        %gather3A_548 = tpu.vector_load_idx %arg13[%iota3A, %broadcast_in_dim3A_546] : memref<16x64xf32, #tpu.memory_space<vmem>>[vector<16xi32>, vector<16xi32>], vector<16xf32>,
        %sub3A_549 = arith.subf %gather3A_547, %gather3A_548 : vector<16xf32>
        %gather3A_550 = tpu.vector_load_idx %arg14[%iota3A, %broadcast_in_dim3A_546] : memref<16x64xf32, #tpu.memory_space<vmem>>[vector<16xi32>, vector<16xi32>], vector<16xf32>,
        %sub3A_551 = arith.subf %gather3A_547, %gather3A_550 : vector<16xf32>
        %mul3A_552 = arith.mulf %sub3A_549, %sub3A_549 : vector<16xf32>
        %add3A_553 = arith.addf %add3A_542, %mul3A_552 : vector<16xf32>
        %mul3A_554 = arith.mulf %sub3A_551, %sub3A_551 : vector<16xf32>
        %add3A_555 = arith.addf %add3A_544, %mul3A_554 : vector<16xf32>
        %broadcast_in_dim3A_556 = arith.constant 44 : i32
        %broadcast_in_dim3A_557 = vector.broadcast %broadcast_in_dim3A_556 : i32 to vector<16xi32>
        %gather3A_558 = tpu.vector_load_idx %arg12[%iota3A, %broadcast_in_dim3A_557] : memref<16x64xf32, #tpu.memory_space<vmem>>[vector<16xi32>, vector<16xi32>], vector<16xf32>,
        %gather3A_559 = tpu.vector_load_idx %arg13[%iota3A, %broadcast_in_dim3A_557] : memref<16x64xf32, #tpu.memory_space<vmem>>[vector<16xi32>, vector<16xi32>], vector<16xf32>,
        %sub3A_560 = arith.subf %gather3A_558, %gather3A_559 : vector<16xf32>
        %gather3A_561 = tpu.vector_load_idx %arg14[%iota3A, %broadcast_in_dim3A_557] : memref<16x64xf32, #tpu.memory_space<vmem>>[vector<16xi32>, vector<16xi32>], vector<16xf32>,
        %sub3A_562 = arith.subf %gather3A_558, %gather3A_561 : vector<16xf32>
        %mul3A_563 = arith.mulf %sub3A_560, %sub3A_560 : vector<16xf32>
        %add3A_564 = arith.addf %add3A_553, %mul3A_563 : vector<16xf32>
        %mul3A_565 = arith.mulf %sub3A_562, %sub3A_562 : vector<16xf32>
        %add3A_566 = arith.addf %add3A_555, %mul3A_565 : vector<16xf32>
        %broadcast_in_dim3A_567 = arith.constant 45 : i32
        %broadcast_in_dim3A_568 = vector.broadcast %broadcast_in_dim3A_567 : i32 to vector<16xi32>
        %gather3A_569 = tpu.vector_load_idx %arg12[%iota3A, %broadcast_in_dim3A_568] : memref<16x64xf32, #tpu.memory_space<vmem>>[vector<16xi32>, vector<16xi32>], vector<16xf32>,
        %gather3A_570 = tpu.vector_load_idx %arg13[%iota3A, %broadcast_in_dim3A_568] : memref<16x64xf32, #tpu.memory_space<vmem>>[vector<16xi32>, vector<16xi32>], vector<16xf32>,
        %sub3A_571 = arith.subf %gather3A_569, %gather3A_570 : vector<16xf32>
        %gather3A_572 = tpu.vector_load_idx %arg14[%iota3A, %broadcast_in_dim3A_568] : memref<16x64xf32, #tpu.memory_space<vmem>>[vector<16xi32>, vector<16xi32>], vector<16xf32>,
        %sub3A_573 = arith.subf %gather3A_569, %gather3A_572 : vector<16xf32>
        %mul3A_574 = arith.mulf %sub3A_571, %sub3A_571 : vector<16xf32>
        %add3A_575 = arith.addf %add3A_564, %mul3A_574 : vector<16xf32>
        %mul3A_576 = arith.mulf %sub3A_573, %sub3A_573 : vector<16xf32>
        %add3A_577 = arith.addf %add3A_566, %mul3A_576 : vector<16xf32>
        %broadcast_in_dim3A_578 = arith.constant 46 : i32
        %broadcast_in_dim3A_579 = vector.broadcast %broadcast_in_dim3A_578 : i32 to vector<16xi32>
        %gather3A_580 = tpu.vector_load_idx %arg12[%iota3A, %broadcast_in_dim3A_579] : memref<16x64xf32, #tpu.memory_space<vmem>>[vector<16xi32>, vector<16xi32>], vector<16xf32>,
        %gather3A_581 = tpu.vector_load_idx %arg13[%iota3A, %broadcast_in_dim3A_579] : memref<16x64xf32, #tpu.memory_space<vmem>>[vector<16xi32>, vector<16xi32>], vector<16xf32>,
        %sub3A_582 = arith.subf %gather3A_580, %gather3A_581 : vector<16xf32>
        %gather3A_583 = tpu.vector_load_idx %arg14[%iota3A, %broadcast_in_dim3A_579] : memref<16x64xf32, #tpu.memory_space<vmem>>[vector<16xi32>, vector<16xi32>], vector<16xf32>,
        %sub3A_584 = arith.subf %gather3A_580, %gather3A_583 : vector<16xf32>
        %mul3A_585 = arith.mulf %sub3A_582, %sub3A_582 : vector<16xf32>
        %add3A_586 = arith.addf %add3A_575, %mul3A_585 : vector<16xf32>
        %mul3A_587 = arith.mulf %sub3A_584, %sub3A_584 : vector<16xf32>
        %add3A_588 = arith.addf %add3A_577, %mul3A_587 : vector<16xf32>
        %broadcast_in_dim3A_589 = arith.constant 47 : i32
        %broadcast_in_dim3A_590 = vector.broadcast %broadcast_in_dim3A_589 : i32 to vector<16xi32>
        %gather3A_591 = tpu.vector_load_idx %arg12[%iota3A, %broadcast_in_dim3A_590] : memref<16x64xf32, #tpu.memory_space<vmem>>[vector<16xi32>, vector<16xi32>], vector<16xf32>,
        %gather3A_592 = tpu.vector_load_idx %arg13[%iota3A, %broadcast_in_dim3A_590] : memref<16x64xf32, #tpu.memory_space<vmem>>[vector<16xi32>, vector<16xi32>], vector<16xf32>,
        %sub3A_593 = arith.subf %gather3A_591, %gather3A_592 : vector<16xf32>
        %gather3A_594 = tpu.vector_load_idx %arg14[%iota3A, %broadcast_in_dim3A_590] : memref<16x64xf32, #tpu.memory_space<vmem>>[vector<16xi32>, vector<16xi32>], vector<16xf32>,
        %sub3A_595 = arith.subf %gather3A_591, %gather3A_594 : vector<16xf32>
        %mul3A_596 = arith.mulf %sub3A_593, %sub3A_593 : vector<16xf32>
        %add3A_597 = arith.addf %add3A_586, %mul3A_596 : vector<16xf32>
        %mul3A_598 = arith.mulf %sub3A_595, %sub3A_595 : vector<16xf32>
        %add3A_599 = arith.addf %add3A_588, %mul3A_598 : vector<16xf32>
        %broadcast_in_dim3A_600 = arith.constant 48 : i32
        %broadcast_in_dim3A_601 = vector.broadcast %broadcast_in_dim3A_600 : i32 to vector<16xi32>
        %gather3A_602 = tpu.vector_load_idx %arg12[%iota3A, %broadcast_in_dim3A_601] : memref<16x64xf32, #tpu.memory_space<vmem>>[vector<16xi32>, vector<16xi32>], vector<16xf32>,
        %gather3A_603 = tpu.vector_load_idx %arg13[%iota3A, %broadcast_in_dim3A_601] : memref<16x64xf32, #tpu.memory_space<vmem>>[vector<16xi32>, vector<16xi32>], vector<16xf32>,
        %sub3A_604 = arith.subf %gather3A_602, %gather3A_603 : vector<16xf32>
        %gather3A_605 = tpu.vector_load_idx %arg14[%iota3A, %broadcast_in_dim3A_601] : memref<16x64xf32, #tpu.memory_space<vmem>>[vector<16xi32>, vector<16xi32>], vector<16xf32>,
        %sub3A_606 = arith.subf %gather3A_602, %gather3A_605 : vector<16xf32>
        %mul3A_607 = arith.mulf %sub3A_604, %sub3A_604 : vector<16xf32>
        %add3A_608 = arith.addf %add3A_597, %mul3A_607 : vector<16xf32>
        %mul3A_609 = arith.mulf %sub3A_606, %sub3A_606 : vector<16xf32>
        %add3A_610 = arith.addf %add3A_599, %mul3A_609 : vector<16xf32>
        %broadcast_in_dim3A_611 = arith.constant 49 : i32
        %broadcast_in_dim3A_612 = vector.broadcast %broadcast_in_dim3A_611 : i32 to vector<16xi32>
        %gather3A_613 = tpu.vector_load_idx %arg12[%iota3A, %broadcast_in_dim3A_612] : memref<16x64xf32, #tpu.memory_space<vmem>>[vector<16xi32>, vector<16xi32>], vector<16xf32>,
        %gather3A_614 = tpu.vector_load_idx %arg13[%iota3A, %broadcast_in_dim3A_612] : memref<16x64xf32, #tpu.memory_space<vmem>>[vector<16xi32>, vector<16xi32>], vector<16xf32>,
        %sub3A_615 = arith.subf %gather3A_613, %gather3A_614 : vector<16xf32>
        %gather3A_616 = tpu.vector_load_idx %arg14[%iota3A, %broadcast_in_dim3A_612] : memref<16x64xf32, #tpu.memory_space<vmem>>[vector<16xi32>, vector<16xi32>], vector<16xf32>,
        %sub3A_617 = arith.subf %gather3A_613, %gather3A_616 : vector<16xf32>
        %mul3A_618 = arith.mulf %sub3A_615, %sub3A_615 : vector<16xf32>
        %add3A_619 = arith.addf %add3A_608, %mul3A_618 : vector<16xf32>
        %mul3A_620 = arith.mulf %sub3A_617, %sub3A_617 : vector<16xf32>
        %add3A_621 = arith.addf %add3A_610, %mul3A_620 : vector<16xf32>
        %broadcast_in_dim3A_622 = arith.constant 50 : i32
        %broadcast_in_dim3A_623 = vector.broadcast %broadcast_in_dim3A_622 : i32 to vector<16xi32>
        %gather3A_624 = tpu.vector_load_idx %arg12[%iota3A, %broadcast_in_dim3A_623] : memref<16x64xf32, #tpu.memory_space<vmem>>[vector<16xi32>, vector<16xi32>], vector<16xf32>,
        %gather3A_625 = tpu.vector_load_idx %arg13[%iota3A, %broadcast_in_dim3A_623] : memref<16x64xf32, #tpu.memory_space<vmem>>[vector<16xi32>, vector<16xi32>], vector<16xf32>,
        %sub3A_626 = arith.subf %gather3A_624, %gather3A_625 : vector<16xf32>
        %gather3A_627 = tpu.vector_load_idx %arg14[%iota3A, %broadcast_in_dim3A_623] : memref<16x64xf32, #tpu.memory_space<vmem>>[vector<16xi32>, vector<16xi32>], vector<16xf32>,
        %sub3A_628 = arith.subf %gather3A_624, %gather3A_627 : vector<16xf32>
        %mul3A_629 = arith.mulf %sub3A_626, %sub3A_626 : vector<16xf32>
        %add3A_630 = arith.addf %add3A_619, %mul3A_629 : vector<16xf32>
        %mul3A_631 = arith.mulf %sub3A_628, %sub3A_628 : vector<16xf32>
        %add3A_632 = arith.addf %add3A_621, %mul3A_631 : vector<16xf32>
        %broadcast_in_dim3A_633 = arith.constant 51 : i32
        %broadcast_in_dim3A_634 = vector.broadcast %broadcast_in_dim3A_633 : i32 to vector<16xi32>
        %gather3A_635 = tpu.vector_load_idx %arg12[%iota3A, %broadcast_in_dim3A_634] : memref<16x64xf32, #tpu.memory_space<vmem>>[vector<16xi32>, vector<16xi32>], vector<16xf32>,
        %gather3A_636 = tpu.vector_load_idx %arg13[%iota3A, %broadcast_in_dim3A_634] : memref<16x64xf32, #tpu.memory_space<vmem>>[vector<16xi32>, vector<16xi32>], vector<16xf32>,
        %sub3A_637 = arith.subf %gather3A_635, %gather3A_636 : vector<16xf32>
        %gather3A_638 = tpu.vector_load_idx %arg14[%iota3A, %broadcast_in_dim3A_634] : memref<16x64xf32, #tpu.memory_space<vmem>>[vector<16xi32>, vector<16xi32>], vector<16xf32>,
        %sub3A_639 = arith.subf %gather3A_635, %gather3A_638 : vector<16xf32>
        %mul3A_640 = arith.mulf %sub3A_637, %sub3A_637 : vector<16xf32>
        %add3A_641 = arith.addf %add3A_630, %mul3A_640 : vector<16xf32>
        %mul3A_642 = arith.mulf %sub3A_639, %sub3A_639 : vector<16xf32>
        %add3A_643 = arith.addf %add3A_632, %mul3A_642 : vector<16xf32>
        %broadcast_in_dim3A_644 = arith.constant 52 : i32
        %broadcast_in_dim3A_645 = vector.broadcast %broadcast_in_dim3A_644 : i32 to vector<16xi32>
        %gather3A_646 = tpu.vector_load_idx %arg12[%iota3A, %broadcast_in_dim3A_645] : memref<16x64xf32, #tpu.memory_space<vmem>>[vector<16xi32>, vector<16xi32>], vector<16xf32>,
        %gather3A_647 = tpu.vector_load_idx %arg13[%iota3A, %broadcast_in_dim3A_645] : memref<16x64xf32, #tpu.memory_space<vmem>>[vector<16xi32>, vector<16xi32>], vector<16xf32>,
        %sub3A_648 = arith.subf %gather3A_646, %gather3A_647 : vector<16xf32>
        %gather3A_649 = tpu.vector_load_idx %arg14[%iota3A, %broadcast_in_dim3A_645] : memref<16x64xf32, #tpu.memory_space<vmem>>[vector<16xi32>, vector<16xi32>], vector<16xf32>,
        %sub3A_650 = arith.subf %gather3A_646, %gather3A_649 : vector<16xf32>
        %mul3A_651 = arith.mulf %sub3A_648, %sub3A_648 : vector<16xf32>
        %add3A_652 = arith.addf %add3A_641, %mul3A_651 : vector<16xf32>
        %mul3A_653 = arith.mulf %sub3A_650, %sub3A_650 : vector<16xf32>
        %add3A_654 = arith.addf %add3A_643, %mul3A_653 : vector<16xf32>
        %broadcast_in_dim3A_655 = arith.constant 53 : i32
        %broadcast_in_dim3A_656 = vector.broadcast %broadcast_in_dim3A_655 : i32 to vector<16xi32>
        %gather3A_657 = tpu.vector_load_idx %arg12[%iota3A, %broadcast_in_dim3A_656] : memref<16x64xf32, #tpu.memory_space<vmem>>[vector<16xi32>, vector<16xi32>], vector<16xf32>,
        %gather3A_658 = tpu.vector_load_idx %arg13[%iota3A, %broadcast_in_dim3A_656] : memref<16x64xf32, #tpu.memory_space<vmem>>[vector<16xi32>, vector<16xi32>], vector<16xf32>,
        %sub3A_659 = arith.subf %gather3A_657, %gather3A_658 : vector<16xf32>
        %gather3A_660 = tpu.vector_load_idx %arg14[%iota3A, %broadcast_in_dim3A_656] : memref<16x64xf32, #tpu.memory_space<vmem>>[vector<16xi32>, vector<16xi32>], vector<16xf32>,
        %sub3A_661 = arith.subf %gather3A_657, %gather3A_660 : vector<16xf32>
        %mul3A_662 = arith.mulf %sub3A_659, %sub3A_659 : vector<16xf32>
        %add3A_663 = arith.addf %add3A_652, %mul3A_662 : vector<16xf32>
        %mul3A_664 = arith.mulf %sub3A_661, %sub3A_661 : vector<16xf32>
        %add3A_665 = arith.addf %add3A_654, %mul3A_664 : vector<16xf32>
        %broadcast_in_dim3A_666 = arith.constant 54 : i32
        %broadcast_in_dim3A_667 = vector.broadcast %broadcast_in_dim3A_666 : i32 to vector<16xi32>
        %gather3A_668 = tpu.vector_load_idx %arg12[%iota3A, %broadcast_in_dim3A_667] : memref<16x64xf32, #tpu.memory_space<vmem>>[vector<16xi32>, vector<16xi32>], vector<16xf32>,
        %gather3A_669 = tpu.vector_load_idx %arg13[%iota3A, %broadcast_in_dim3A_667] : memref<16x64xf32, #tpu.memory_space<vmem>>[vector<16xi32>, vector<16xi32>], vector<16xf32>,
        %sub3A_670 = arith.subf %gather3A_668, %gather3A_669 : vector<16xf32>
        %gather3A_671 = tpu.vector_load_idx %arg14[%iota3A, %broadcast_in_dim3A_667] : memref<16x64xf32, #tpu.memory_space<vmem>>[vector<16xi32>, vector<16xi32>], vector<16xf32>,
        %sub3A_672 = arith.subf %gather3A_668, %gather3A_671 : vector<16xf32>
        %mul3A_673 = arith.mulf %sub3A_670, %sub3A_670 : vector<16xf32>
        %add3A_674 = arith.addf %add3A_663, %mul3A_673 : vector<16xf32>
        %mul3A_675 = arith.mulf %sub3A_672, %sub3A_672 : vector<16xf32>
        %add3A_676 = arith.addf %add3A_665, %mul3A_675 : vector<16xf32>
        %broadcast_in_dim3A_677 = arith.constant 55 : i32
        %broadcast_in_dim3A_678 = vector.broadcast %broadcast_in_dim3A_677 : i32 to vector<16xi32>
        %gather3A_679 = tpu.vector_load_idx %arg12[%iota3A, %broadcast_in_dim3A_678] : memref<16x64xf32, #tpu.memory_space<vmem>>[vector<16xi32>, vector<16xi32>], vector<16xf32>,
        %gather3A_680 = tpu.vector_load_idx %arg13[%iota3A, %broadcast_in_dim3A_678] : memref<16x64xf32, #tpu.memory_space<vmem>>[vector<16xi32>, vector<16xi32>], vector<16xf32>,
        %sub3A_681 = arith.subf %gather3A_679, %gather3A_680 : vector<16xf32>
        %gather3A_682 = tpu.vector_load_idx %arg14[%iota3A, %broadcast_in_dim3A_678] : memref<16x64xf32, #tpu.memory_space<vmem>>[vector<16xi32>, vector<16xi32>], vector<16xf32>,
        %sub3A_683 = arith.subf %gather3A_679, %gather3A_682 : vector<16xf32>
        %mul3A_684 = arith.mulf %sub3A_681, %sub3A_681 : vector<16xf32>
        %add3A_685 = arith.addf %add3A_674, %mul3A_684 : vector<16xf32>
        %mul3A_686 = arith.mulf %sub3A_683, %sub3A_683 : vector<16xf32>
        %add3A_687 = arith.addf %add3A_676, %mul3A_686 : vector<16xf32>
        %broadcast_in_dim3A_688 = arith.constant 56 : i32
        %broadcast_in_dim3A_689 = vector.broadcast %broadcast_in_dim3A_688 : i32 to vector<16xi32>
        %gather3A_690 = tpu.vector_load_idx %arg12[%iota3A, %broadcast_in_dim3A_689] : memref<16x64xf32, #tpu.memory_space<vmem>>[vector<16xi32>, vector<16xi32>], vector<16xf32>,
        %gather3A_691 = tpu.vector_load_idx %arg13[%iota3A, %broadcast_in_dim3A_689] : memref<16x64xf32, #tpu.memory_space<vmem>>[vector<16xi32>, vector<16xi32>], vector<16xf32>,
        %sub3A_692 = arith.subf %gather3A_690, %gather3A_691 : vector<16xf32>
        %gather3A_693 = tpu.vector_load_idx %arg14[%iota3A, %broadcast_in_dim3A_689] : memref<16x64xf32, #tpu.memory_space<vmem>>[vector<16xi32>, vector<16xi32>], vector<16xf32>,
        %sub3A_694 = arith.subf %gather3A_690, %gather3A_693 : vector<16xf32>
        %mul3A_695 = arith.mulf %sub3A_692, %sub3A_692 : vector<16xf32>
        %add3A_696 = arith.addf %add3A_685, %mul3A_695 : vector<16xf32>
        %mul3A_697 = arith.mulf %sub3A_694, %sub3A_694 : vector<16xf32>
        %add3A_698 = arith.addf %add3A_687, %mul3A_697 : vector<16xf32>
        %broadcast_in_dim3A_699 = arith.constant 57 : i32
        %broadcast_in_dim3A_700 = vector.broadcast %broadcast_in_dim3A_699 : i32 to vector<16xi32>
        %gather3A_701 = tpu.vector_load_idx %arg12[%iota3A, %broadcast_in_dim3A_700] : memref<16x64xf32, #tpu.memory_space<vmem>>[vector<16xi32>, vector<16xi32>], vector<16xf32>,
        %gather3A_702 = tpu.vector_load_idx %arg13[%iota3A, %broadcast_in_dim3A_700] : memref<16x64xf32, #tpu.memory_space<vmem>>[vector<16xi32>, vector<16xi32>], vector<16xf32>,
        %sub3A_703 = arith.subf %gather3A_701, %gather3A_702 : vector<16xf32>
        %gather3A_704 = tpu.vector_load_idx %arg14[%iota3A, %broadcast_in_dim3A_700] : memref<16x64xf32, #tpu.memory_space<vmem>>[vector<16xi32>, vector<16xi32>], vector<16xf32>,
        %sub3A_705 = arith.subf %gather3A_701, %gather3A_704 : vector<16xf32>
        %mul3A_706 = arith.mulf %sub3A_703, %sub3A_703 : vector<16xf32>
        %add3A_707 = arith.addf %add3A_696, %mul3A_706 : vector<16xf32>
        %mul3A_708 = arith.mulf %sub3A_705, %sub3A_705 : vector<16xf32>
        %add3A_709 = arith.addf %add3A_698, %mul3A_708 : vector<16xf32>
        %broadcast_in_dim3A_710 = arith.constant 58 : i32
        %broadcast_in_dim3A_711 = vector.broadcast %broadcast_in_dim3A_710 : i32 to vector<16xi32>
        %gather3A_712 = tpu.vector_load_idx %arg12[%iota3A, %broadcast_in_dim3A_711] : memref<16x64xf32, #tpu.memory_space<vmem>>[vector<16xi32>, vector<16xi32>], vector<16xf32>,
        %gather3A_713 = tpu.vector_load_idx %arg13[%iota3A, %broadcast_in_dim3A_711] : memref<16x64xf32, #tpu.memory_space<vmem>>[vector<16xi32>, vector<16xi32>], vector<16xf32>,
        %sub3A_714 = arith.subf %gather3A_712, %gather3A_713 : vector<16xf32>
        %gather3A_715 = tpu.vector_load_idx %arg14[%iota3A, %broadcast_in_dim3A_711] : memref<16x64xf32, #tpu.memory_space<vmem>>[vector<16xi32>, vector<16xi32>], vector<16xf32>,
        %sub3A_716 = arith.subf %gather3A_712, %gather3A_715 : vector<16xf32>
        %mul3A_717 = arith.mulf %sub3A_714, %sub3A_714 : vector<16xf32>
        %add3A_718 = arith.addf %add3A_707, %mul3A_717 : vector<16xf32>
        %mul3A_719 = arith.mulf %sub3A_716, %sub3A_716 : vector<16xf32>
        %add3A_720 = arith.addf %add3A_709, %mul3A_719 : vector<16xf32>
        %broadcast_in_dim3A_721 = arith.constant 59 : i32
        %broadcast_in_dim3A_722 = vector.broadcast %broadcast_in_dim3A_721 : i32 to vector<16xi32>
        %gather3A_723 = tpu.vector_load_idx %arg12[%iota3A, %broadcast_in_dim3A_722] : memref<16x64xf32, #tpu.memory_space<vmem>>[vector<16xi32>, vector<16xi32>], vector<16xf32>,
        %gather3A_724 = tpu.vector_load_idx %arg13[%iota3A, %broadcast_in_dim3A_722] : memref<16x64xf32, #tpu.memory_space<vmem>>[vector<16xi32>, vector<16xi32>], vector<16xf32>,
        %sub3A_725 = arith.subf %gather3A_723, %gather3A_724 : vector<16xf32>
        %gather3A_726 = tpu.vector_load_idx %arg14[%iota3A, %broadcast_in_dim3A_722] : memref<16x64xf32, #tpu.memory_space<vmem>>[vector<16xi32>, vector<16xi32>], vector<16xf32>,
        %sub3A_727 = arith.subf %gather3A_723, %gather3A_726 : vector<16xf32>
        %mul3A_728 = arith.mulf %sub3A_725, %sub3A_725 : vector<16xf32>
        %add3A_729 = arith.addf %add3A_718, %mul3A_728 : vector<16xf32>
        %mul3A_730 = arith.mulf %sub3A_727, %sub3A_727 : vector<16xf32>
        %add3A_731 = arith.addf %add3A_720, %mul3A_730 : vector<16xf32>
        %broadcast_in_dim3A_732 = arith.constant 60 : i32
        %broadcast_in_dim3A_733 = vector.broadcast %broadcast_in_dim3A_732 : i32 to vector<16xi32>
        %gather3A_734 = tpu.vector_load_idx %arg12[%iota3A, %broadcast_in_dim3A_733] : memref<16x64xf32, #tpu.memory_space<vmem>>[vector<16xi32>, vector<16xi32>], vector<16xf32>,
        %gather3A_735 = tpu.vector_load_idx %arg13[%iota3A, %broadcast_in_dim3A_733] : memref<16x64xf32, #tpu.memory_space<vmem>>[vector<16xi32>, vector<16xi32>], vector<16xf32>,
        %sub3A_736 = arith.subf %gather3A_734, %gather3A_735 : vector<16xf32>
        %gather3A_737 = tpu.vector_load_idx %arg14[%iota3A, %broadcast_in_dim3A_733] : memref<16x64xf32, #tpu.memory_space<vmem>>[vector<16xi32>, vector<16xi32>], vector<16xf32>,
        %sub3A_738 = arith.subf %gather3A_734, %gather3A_737 : vector<16xf32>
        %mul3A_739 = arith.mulf %sub3A_736, %sub3A_736 : vector<16xf32>
        %add3A_740 = arith.addf %add3A_729, %mul3A_739 : vector<16xf32>
        %mul3A_741 = arith.mulf %sub3A_738, %sub3A_738 : vector<16xf32>
        %add3A_742 = arith.addf %add3A_731, %mul3A_741 : vector<16xf32>
        %broadcast_in_dim3A_743 = arith.constant 61 : i32
        %broadcast_in_dim3A_744 = vector.broadcast %broadcast_in_dim3A_743 : i32 to vector<16xi32>
        %gather3A_745 = tpu.vector_load_idx %arg12[%iota3A, %broadcast_in_dim3A_744] : memref<16x64xf32, #tpu.memory_space<vmem>>[vector<16xi32>, vector<16xi32>], vector<16xf32>,
        %gather3A_746 = tpu.vector_load_idx %arg13[%iota3A, %broadcast_in_dim3A_744] : memref<16x64xf32, #tpu.memory_space<vmem>>[vector<16xi32>, vector<16xi32>], vector<16xf32>,
        %sub3A_747 = arith.subf %gather3A_745, %gather3A_746 : vector<16xf32>
        %gather3A_748 = tpu.vector_load_idx %arg14[%iota3A, %broadcast_in_dim3A_744] : memref<16x64xf32, #tpu.memory_space<vmem>>[vector<16xi32>, vector<16xi32>], vector<16xf32>,
        %sub3A_749 = arith.subf %gather3A_745, %gather3A_748 : vector<16xf32>
        %mul3A_750 = arith.mulf %sub3A_747, %sub3A_747 : vector<16xf32>
        %add3A_751 = arith.addf %add3A_740, %mul3A_750 : vector<16xf32>
        %mul3A_752 = arith.mulf %sub3A_749, %sub3A_749 : vector<16xf32>
        %add3A_753 = arith.addf %add3A_742, %mul3A_752 : vector<16xf32>
        %broadcast_in_dim3A_754 = arith.constant 62 : i32
        %broadcast_in_dim3A_755 = vector.broadcast %broadcast_in_dim3A_754 : i32 to vector<16xi32>
        %gather3A_756 = tpu.vector_load_idx %arg12[%iota3A, %broadcast_in_dim3A_755] : memref<16x64xf32, #tpu.memory_space<vmem>>[vector<16xi32>, vector<16xi32>], vector<16xf32>,
        %gather3A_757 = tpu.vector_load_idx %arg13[%iota3A, %broadcast_in_dim3A_755] : memref<16x64xf32, #tpu.memory_space<vmem>>[vector<16xi32>, vector<16xi32>], vector<16xf32>,
        %sub3A_758 = arith.subf %gather3A_756, %gather3A_757 : vector<16xf32>
        %gather3A_759 = tpu.vector_load_idx %arg14[%iota3A, %broadcast_in_dim3A_755] : memref<16x64xf32, #tpu.memory_space<vmem>>[vector<16xi32>, vector<16xi32>], vector<16xf32>,
        %sub3A_760 = arith.subf %gather3A_756, %gather3A_759 : vector<16xf32>
        %mul3A_761 = arith.mulf %sub3A_758, %sub3A_758 : vector<16xf32>
        %add3A_762 = arith.addf %add3A_751, %mul3A_761 : vector<16xf32>
        %mul3A_763 = arith.mulf %sub3A_760, %sub3A_760 : vector<16xf32>
        %add3A_764 = arith.addf %add3A_753, %mul3A_763 : vector<16xf32>
        %broadcast_in_dim3A_765 = arith.constant 63 : i32
        %broadcast_in_dim3A_766 = vector.broadcast %broadcast_in_dim3A_765 : i32 to vector<16xi32>
        %gather3A_767 = tpu.vector_load_idx %arg12[%iota3A, %broadcast_in_dim3A_766] : memref<16x64xf32, #tpu.memory_space<vmem>>[vector<16xi32>, vector<16xi32>], vector<16xf32>,
        %gather3A_768 = tpu.vector_load_idx %arg13[%iota3A, %broadcast_in_dim3A_766] : memref<16x64xf32, #tpu.memory_space<vmem>>[vector<16xi32>, vector<16xi32>], vector<16xf32>,
        %sub3A_769 = arith.subf %gather3A_767, %gather3A_768 : vector<16xf32>
        %gather3A_770 = tpu.vector_load_idx %arg14[%iota3A, %broadcast_in_dim3A_766] : memref<16x64xf32, #tpu.memory_space<vmem>>[vector<16xi32>, vector<16xi32>], vector<16xf32>,
        %sub3A_771 = arith.subf %gather3A_767, %gather3A_770 : vector<16xf32>
        %mul3A_772 = arith.mulf %sub3A_769, %sub3A_769 : vector<16xf32>
        %add3A_773 = arith.addf %add3A_762, %mul3A_772 : vector<16xf32>
        %mul3A_774 = arith.mulf %sub3A_771, %sub3A_771 : vector<16xf32>
        %add3A_775 = arith.addf %add3A_764, %mul3A_774 : vector<16xf32>
        %lt3A_776 = arith.cmpf olt, %add3A_773, %add3A_775 : vector<16xf32>
        %lt3A_777 = arith.cmpf olt, %add3A_775, %add3A_773 : vector<16xf32>
        %min3A = arith.minsi %get3A_39, %get3A_55 : vector<16xi32>
        %select_n3A = arith.select %lt3A_777, %get3A_55, %min3A : vector<16xi1>, vector<16xi32>
        %select_n3A_778 = arith.select %lt3A_776, %get3A_39, %select_n3A : vector<16xi1>, vector<16xi32>
        scf.yield %select_n3A_778 : vector<16xi32>
      } else {
        scf.yield %get3A_39 : vector<16xi32>
      }
      %mul3A_49 = arith.constant 16 : i32
      %mul3A_50 = arith.muli %scan3A_36, %mul3A_49 : i32
      %swap3A = arith.index_cast %mul3A_50 : i32 to index
      %swap3A_51 = tpu.vector_load %arg11[%swap3A] {strides = array<i32>} : memref<512xi32, #tpu.memory_space<vmem>>, vector<16xi32>,
      tpu.vector_store %arg11[%swap3A], %cond3A_48 {strides = array<i32>} : memref<512xi32, #tpu.memory_space<vmem>>, vector<16xi32>,
    }
    %scan3A_35 = arith.constant 32 : i32
    "tpu.region"() ({
      %run_scoped3A = tpu.sem_alloc : memref<!tpu.dma_semaphore, #tpu.memory_space<semaphore_mem>>
      %dma_start3A_36 = tpu.memref_slice %arg7[%mul3A_2] : memref<16384xi32, #tpu.memory_space<hbm>> -> memref<512xi32, #tpu.memory_space<hbm>>
      %dma_start3A_37 = tpu.memref_slice %arg7[%mul3A_2] : memref<16384xi32, #tpu.memory_space<hbm>> -> memref<512xi32, #tpu.memory_space<hbm>>
      tpu.enqueue_dma source(%arg11 : memref<512xi32, #tpu.memory_space<vmem>>) target(%dma_start3A_37 : memref<512xi32, #tpu.memory_space<hbm>>) target_semaphore(%run_scoped3A : memref<!tpu.dma_semaphore, #tpu.memory_space<semaphore_mem>>)
      %dma_wait3A_38 = tpu.memref_slice %arg7[%mul3A_2] : memref<16384xi32, #tpu.memory_space<hbm>> -> memref<512xi32, #tpu.memory_space<hbm>>
      %dma_wait3A_39 = tpu.memref_slice %arg7[%mul3A_2] : memref<16384xi32, #tpu.memory_space<hbm>> -> memref<512xi32, #tpu.memory_space<hbm>>
      tpu.wait_dma2 semaphore(%run_scoped3A : memref<!tpu.dma_semaphore, #tpu.memory_space<semaphore_mem>>) src(%arg11 : memref<512xi32, #tpu.memory_space<vmem>>) dst(%dma_wait3A_39 : memref<512xi32, #tpu.memory_space<hbm>>)
      tpu.yield
    }) : () -> ()
    return
  }
}

module attributes {stable_mosaic.version = 14 : i64} {
  func.func @_dist_block(%arg0: i32, %arg1: memref<1024x64xf32, #tpu.memory_space<vmem>>, %arg2: memref<1024x64xf32, #tpu.memory_space<vmem>>, %arg3: memref<1024x1024xf32, #tpu.memory_space<vmem>>, %arg4: memref<1x1024xi32, #tpu.memory_space<vmem>>, %arg5: memref<1x1024xi32, #tpu.memory_space<vmem>>, %arg6: memref<1x1024xf32, #tpu.memory_space<vmem>>) attributes {dimension_semantics = [#tpu.dimension_semantics<arbitrary>], iteration_bounds = array<i64: 16>, scalar_prefetch = 0 : i64, scratch_operands = 0 : i64, tpu.core_type = #tpu.core_type<tc>, window_params = [{transform_indices = @transform_0, window_bounds = array<i64: 1024, 64>}, {pipeline_mode = #tpu.pipeline_mode<synchronous>, transform_indices = @transform_1, window_bounds = array<i64: 1024, 64>}, {transform_indices = @transform_2, window_bounds = array<i64: 1024, 1024>}, {transform_indices = @transform_3, window_bounds = array<i64: 1, 1024>}, {transform_indices = @transform_4, window_bounds = array<i64: 1, 1024>}, {transform_indices = @transform_5, window_bounds = array<i64: 1, 1024>}]} {
    %get3A = arith.constant 0 : index
    %get3A_0 = arith.constant 0 : index
    %get3A_1 = vector.load %arg1[%get3A, %get3A_0] : memref<1024x64xf32, #tpu.memory_space<vmem>>, vector<1024x64xf32>
    %get3A_2 = arith.constant 0 : index
    %get3A_3 = arith.constant 0 : index
    %get3A_4 = vector.load %arg2[%get3A_2, %get3A_3] : memref<1024x64xf32, #tpu.memory_space<vmem>>, vector<1024x64xf32>
    %dot_general3A = arith.constant dense<0.000000e+00> : vector<1024x1024xf32>
    %dot_general3A_5 = tpu.matmul %get3A_4, %get3A_1, %dot_general3A {dimension_numbers = #tpu.dot_dimension_numbers<[1], [1], [0], [0], [0, 0, 1, 0], [], []>, precision = #tpu.contract_precision<fp32>, transpose_lhs_hint = false} : vector<1024x64xf32>, vector<1024x64xf32>, vector<1024x1024xf32> -> vector<1024x1024xf32>
    %mul3A = arith.mulf %get3A_4, %get3A_4 : vector<1024x64xf32>
    %reduce_sum3A = arith.constant dense<0.000000e+00> : vector<1024xf32>
    %reduce_sum3A_6 = vector.multi_reduction <add>, %mul3A, %reduce_sum3A [1] : vector<1024x64xf32> to vector<1024xf32>
    %broadcast_in_dim3A = vector.shape_cast %reduce_sum3A_6 : vector<1024xf32> to vector<1024x1xf32>
    %mul3A_7 = arith.mulf %get3A_1, %get3A_1 : vector<1024x64xf32>
    %reduce_sum3A_8 = arith.constant dense<0.000000e+00> : vector<1024xf32>
    %reduce_sum3A_9 = vector.multi_reduction <add>, %mul3A_7, %reduce_sum3A_8 [1] : vector<1024x64xf32> to vector<1024xf32>
    %broadcast_in_dim3A_10 = vector.shape_cast %reduce_sum3A_9 : vector<1024xf32> to vector<1x1024xf32>
    %mul3A_11 = arith.constant 2.000000e+00 : f32
    %mul3A_12 = vector.broadcast %mul3A_11 : f32 to vector<1024x1024xf32>
    %mul3A_13 = arith.mulf %mul3A_12, %dot_general3A_5 : vector<1024x1024xf32>
    %sub3A = vector.broadcast %broadcast_in_dim3A : vector<1024x1xf32> to vector<1024x1024xf32>
    %sub3A_14 = arith.subf %sub3A, %mul3A_13 : vector<1024x1024xf32>
    %add3A = vector.broadcast %broadcast_in_dim3A_10 : vector<1x1024xf32> to vector<1024x1024xf32>
    %add3A_15 = arith.addf %sub3A_14, %add3A : vector<1024x1024xf32>
    %swap3A = arith.constant 0 : index
    %swap3A_16 = arith.constant 0 : index
    %swap3A_17 = vector.load %arg3[%swap3A, %swap3A_16] : memref<1024x1024xf32, #tpu.memory_space<vmem>>, vector<1024x1024xf32>
    tpu.vector_store %arg3[%swap3A, %swap3A_16], %add3A_15 {strides = array<i32>} : memref<1024x1024xf32, #tpu.memory_space<vmem>>, vector<1024x1024xf32>,
    %iota3A = tpu.iota {dimensions = array<i32: 0>} : vector<1024x1024xi32>
    %reduce_min3A = arith.constant dense<0x7F800000> : vector<1024xf32>
    %reduce_min3A_18 = vector.multi_reduction <minimumf>, %add3A_15, %reduce_min3A [0] : vector<1024x1024xf32> to vector<1024xf32>
    %broadcast_in_dim3A_19 = vector.shape_cast %reduce_min3A_18 : vector<1024xf32> to vector<1x1024xf32>
    %eq3A = vector.broadcast %broadcast_in_dim3A_19 : vector<1x1024xf32> to vector<1024x1024xf32>
    %eq3A_20 = arith.cmpf oeq, %add3A_15, %eq3A : vector<1024x1024xf32>
    %jit3A = arith.constant 1024 : i32
    %broadcast_in_dim3A_21 = vector.broadcast %jit3A : i32 to vector<1024x1024xi32>
    %select_n3A = arith.select %eq3A_20, %iota3A, %broadcast_in_dim3A_21 : vector<1024x1024xi1>, vector<1024x1024xi32>
    %reduce_min3A_22 = arith.constant dense<2147483647> : vector<1024xi32>
    %reduce_min3A_23 = vector.multi_reduction <minsi>, %select_n3A, %reduce_min3A_22 [0] : vector<1024x1024xi32> to vector<1024xi32>
    %broadcast_in_dim3A_24 = vector.shape_cast %reduce_min3A_23 : vector<1024xi32> to vector<1x1024xi32>
    %eq3A_25 = vector.broadcast %broadcast_in_dim3A_24 : vector<1x1024xi32> to vector<1024x1024xi32>
    %eq3A_26 = arith.cmpi eq, %iota3A, %eq3A_25 : vector<1024x1024xi32>
    %jit3A_27 = arith.constant 0x7F800000 : f32
    %broadcast_in_dim3A_28 = vector.broadcast %jit3A_27 : f32 to vector<1024x1024xf32>
    %select_n3A_29 = arith.select %eq3A_26, %broadcast_in_dim3A_28, %add3A_15 : vector<1024x1024xi1>, vector<1024x1024xf32>
    %reduce_min3A_30 = arith.constant dense<0x7F800000> : vector<1024xf32>
    %reduce_min3A_31 = vector.multi_reduction <minimumf>, %select_n3A_29, %reduce_min3A_30 [0] : vector<1024x1024xf32> to vector<1024xf32>
    %broadcast_in_dim3A_32 = vector.shape_cast %reduce_min3A_31 : vector<1024xf32> to vector<1x1024xf32>
    %eq3A_33 = vector.broadcast %broadcast_in_dim3A_32 : vector<1x1024xf32> to vector<1024x1024xf32>
    %eq3A_34 = arith.cmpf oeq, %select_n3A_29, %eq3A_33 : vector<1024x1024xf32>
    %jit3A_35 = arith.constant 1024 : i32
    %broadcast_in_dim3A_36 = vector.broadcast %jit3A_35 : i32 to vector<1024x1024xi32>
    %select_n3A_37 = arith.select %eq3A_34, %iota3A, %broadcast_in_dim3A_36 : vector<1024x1024xi1>, vector<1024x1024xi32>
    %reduce_min3A_38 = arith.constant dense<2147483647> : vector<1024xi32>
    %reduce_min3A_39 = vector.multi_reduction <minsi>, %select_n3A_37, %reduce_min3A_38 [0] : vector<1024x1024xi32> to vector<1024xi32>
    %swap3A_40 = arith.constant 0 : index
    %swap3A_41 = arith.constant 0 : index
    %swap3A_42 = vector.load %arg4[%swap3A_40, %swap3A_41] : memref<1x1024xi32, #tpu.memory_space<vmem>>, vector<1x1024xi32>
    %swap3A_43 = vector.shape_cast %swap3A_42 : vector<1x1024xi32> to vector<1024xi32>
    %swap3A_44 = vector.shape_cast %reduce_min3A_23 : vector<1024xi32> to vector<1x1024xi32>
    tpu.vector_store %arg4[%swap3A_40, %swap3A_41], %swap3A_44 {strides = array<i32>} : memref<1x1024xi32, #tpu.memory_space<vmem>>, vector<1x1024xi32>,
    %swap3A_45 = arith.constant 0 : index
    %swap3A_46 = arith.constant 0 : index
    %swap3A_47 = vector.load %arg5[%swap3A_45, %swap3A_46] : memref<1x1024xi32, #tpu.memory_space<vmem>>, vector<1x1024xi32>
    %swap3A_48 = vector.shape_cast %swap3A_47 : vector<1x1024xi32> to vector<1024xi32>
    %swap3A_49 = vector.shape_cast %reduce_min3A_39 : vector<1024xi32> to vector<1x1024xi32>
    tpu.vector_store %arg5[%swap3A_45, %swap3A_46], %swap3A_49 {strides = array<i32>} : memref<1x1024xi32, #tpu.memory_space<vmem>>, vector<1x1024xi32>,
    %sub3A_50 = arith.subf %reduce_min3A_31, %reduce_min3A_18 : vector<1024xf32>
    %swap3A_51 = arith.constant 0 : index
    %swap3A_52 = arith.constant 0 : index
    %swap3A_53 = vector.load %arg6[%swap3A_51, %swap3A_52] : memref<1x1024xf32, #tpu.memory_space<vmem>>, vector<1x1024xf32>
    %swap3A_54 = vector.shape_cast %swap3A_53 : vector<1x1024xf32> to vector<1024xf32>
    %swap3A_55 = vector.shape_cast %sub3A_50 : vector<1024xf32> to vector<1x1024xf32>
    tpu.vector_store %arg6[%swap3A_51, %swap3A_52], %swap3A_55 {strides = array<i32>} : memref<1x1024xf32, #tpu.memory_space<vmem>>, vector<1x1024xf32>,
    return
  }
  func.func @transform_0(%arg0: i32) -> (i32, i32) {
    %c0_i32 = arith.constant 0 : i32
    %c0_i32_0 = arith.constant 0 : i32
    return %arg0, %c0_i32 : i32, i32
  }
  func.func @transform_1(%arg0: i32) -> (i32, i32) {
    %c0_i32 = arith.constant 0 : i32
    %c0_i32_0 = arith.constant 0 : i32
    %c0_i32_1 = arith.constant 0 : i32
    return %c0_i32, %c0_i32_0 : i32, i32
  }
  func.func @transform_2(%arg0: i32) -> (i32, i32) {
    %c0_i32 = arith.constant 0 : i32
    %c0_i32_0 = arith.constant 0 : i32
    return %c0_i32, %arg0 : i32, i32
  }
  func.func @transform_3(%arg0: i32) -> (i32, i32) {
    %c0_i32 = arith.constant 0 : i32
    %c0_i32_0 = arith.constant 0 : i32
    return %c0_i32, %arg0 : i32, i32
  }
  func.func @transform_4(%arg0: i32) -> (i32, i32) {
    %c0_i32 = arith.constant 0 : i32
    %c0_i32_0 = arith.constant 0 : i32
    return %c0_i32, %arg0 : i32, i32
  }
  func.func @transform_5(%arg0: i32) -> (i32, i32) {
    %c0_i32 = arith.constant 0 : i32
    %c0_i32_0 = arith.constant 0 : i32
    return %c0_i32, %arg0 : i32, i32
  }
}

</mosaic_0001>

<sc_bundles>
// kernel: kernel.4.cloned.1.call-start
scs
__scs_entry_jumppad:
0x0: {  	(pc) =	sbr.rel $0x88, $3  }
0x1: {  	(tag) =	ssettag $0x0;
	lr =	simm.s32 $0x1  }
0x2: {  	[smem:$0x3F9F] =	sst lr;
	_ =	strace $0xD0000000  }
0x3: {  	_ = 	snop  }
0x4: {  	_ = 	snop  }
0x5: {  	_ = 	snop  }
0x6: {  	_ = 	snop  }
0x7: {  	_ = 	snop  }
__scs_overlays_trampoline_lowered:
0x8: {  	[smem:$0x3FAE] =	sst s0  }
0x9: {  	[smem:$0x3FAF] =	sst s1  }
0xa: {  	[smem:$0x3FB0] =	sst s2  }
0xb: {  	[smem:$0x3FB1] =	sst s3  }
0xc: {  	[smem:$0x3FB2] =	sst s4  }
0xd: {  	[smem:$0x3FB3] =	sst s5  }
0xe: {  	[smem:$0x3FB4] =	sst s6  }
0xf: {  	[smem:$0x3FB5] =	sst s7  }
0x10: {  	[smem:$0x3FB6] =	sst s8  }
0x11: {  	[smem:$0x3FB7] =	sst s9;
	s0 =	simm.s32 @!p0 $0x0  }
0x12: {  	s1 =	sld [smem:$0x3F9D];
	s0 =	simm.s32 @p0 $0x1  }
0x13: {  	[smem:$0x3FB8] =	sst s0;
	s0 =	simm.s32 @!p1 $0x0  }
0x14: {  	s2 =	sld [smem:$0x3F9C];
	s0 =	simm.s32 @p1 $0x1  }
0x15: {  	[smem:$0x3FB9] =	sst s0;
	s0 =	simm.s32 @!p2 $0x0  }
0x16: {  	s3 =	sld [smem:$0x3FDB];
	s0 =	simm.s32 @p2 $0x1  }
0x17: {  	s4 =	simm.s32 $0x1BF5;
	[smem:$0x3FBB] =	sst s0  }
0x18: {  	s0 =	sld [smem:$0x3F9E];
	_ =	swait.ge [sflag:s4], $0x0  }
0x19: {  	s7 =	sld [smem:$0x3F9F]  }
0x1a: {  	s8 =	sadd.s32 $0xFFFFE003, lr  }
0x1b: {  	s9 =	sadd.s32 $0xFFFFFEF7, lr;
	s5 =	simm.s32 $0xFFFFFFFF;
	p2 =	slt.u32 s8, $0xFFFFF086  }
0x1c: {  	p1 =	slt.u32 s9, $0xF7A;
	s5 =	simm.s32 @!p2 $0x0  }
0x1d: {  	s5 =	simm.s32 @p1 $0x1;
	p0 =	seq.s32 s7, s2  }
0x1e: {  	s7 =	smul.u32 @!p0 $0xF7A, s2;
	p2 =	seq.s32 @!p0 s5, $0x0  }
0x1f: {  	s9 =	smul.u32 $0xF7A, s1;
	s8 =	simm.s32 @!p0 $0x1BF5;
	p2 =	por !p2, p0  }
0x20: {  	[sflag:s8] =	ssyncset.s32 @!p0 $0xFFFFF086;
	s6 =	sadd.s32 @!p0 s3, s7;
	s7 =	simm.s32 @!p0 $0x108  }
0x21: {  	s3 =	sadd.s32 s3, s9;
	s6 =	sadd.s32 @!p0 $0x88, s6;
	s7 =	simm.s32 @p2 $0x1082  }
0x22: {  	[simem:s7], [sflag:s8] =	dma.local @!p0 [hbm:s6], $0xF7A  }
0x23: {  	s9 =	sor.u32 $0xD0000000, s2;
	s6 =	simm.s32 $0x108;
	_ =	swait.ge @!p0 [sflag:s8], $0x0  }
0x24: {  	s3 =	sadd.s32 $0x88, s3;
	s6 =	simm.s32 @!p1 $0x1082;
	[sflag:s4] =	ssyncset.s32 $0xFFFFF086  }
0x25: {  	[simem:s6], [sflag:s4] =	dma.local [hbm:s3], $0xF7A  }
0x26: {  	[smem:$0x3F9F] =	sst s1;
	(tag) =	ssettag s2;
	_ =	strace s9  }
0x27: {  	s1 =	sld [smem:$0x3FAF]  }
0x28: {  	s2 =	sld [smem:$0x3FB0]  }
0x29: {  	s4 =	sld [smem:$0x3FB2]  }
0x2a: {  	p0 =	seq.s32 s5, $0x0;
	s5 =	sld [smem:$0x3FB3]  }
0x2b: {  	s6 =	sld [smem:$0x3FB4]  }
0x2c: {  	s7 =	sld [smem:$0x3FB5]  }
0x2d: {  	s3 =	simm.s32 $0x108;
	s8 =	sld [smem:$0x3FB6]  }
0x2e: {  	s3 =	simm.s32 @!p0 $0x1082;
	s9 =	sld [smem:$0x3FB7]  }
0x2f: {  	lr =	sadd.s32 s0, s3;
	s0 =	sld [smem:$0x3FAE]  }
0x30: {  	s3 =	sld [smem:$0x3FB1]  }
0x31: {  	[smem:$0x3FBA] =	sst s10  }
0x32: {  	s10 =	sld [smem:$0x3FB8];
	_ =	sdelay $0x3  }
0x33: {  	p0 =	seq.s32 s10, $0x1;
	s10 =	sld [smem:$0x3FBA];
	_ =	sdelay $0x3  }
0x34: {  	[smem:$0x3FBA] =	sst s10  }
0x35: {  	s10 =	sld [smem:$0x3FB9];
	_ =	sdelay $0x3  }
0x36: {  	p1 =	seq.s32 s10, $0x1;
	s10 =	sld [smem:$0x3FBA];
	_ =	sdelay $0x3  }
0x37: {  	[smem:$0x3FBA] =	sst s10  }
0x38: {  	s10 =	sld [smem:$0x3FBB]  }
0x39: {  	_ = 	snop;
	(pc) =	sbr.ind lr, $3  }
0x3a: {  	_ = 	snop  }
0x3b: {  	_ = 	snop  }
0x3c: {  	p2 =	seq.s32 s10, $0x1;
	s10 =	sld [smem:$0x3FBA]  }
0x3d: {  	_ =	shalt  }
0x3e: {  	_ =	shalt  }
0x3f: {  	_ =	shalt  }
0x40: {  	_ =	shalt  }
0x41: {  	_ =	shalt  }
0x42: {  	_ =	shalt  }
0x43: {  	_ =	shalt  }
0x44: {  	_ =	shalt  }
0x45: {  	_ =	shalt  }
0x46: {  	_ =	shalt  }
0x47: {  	_ =	shalt  }
0x48: {  	_ =	shalt  }
0x49: {  	_ =	shalt  }
0x4a: {  	_ =	shalt  }
0x4b: {  	_ =	shalt  }
0x4c: {  	_ =	shalt  }
0x4d: {  	_ =	shalt  }
0x4e: {  	_ =	shalt  }
0x4f: {  	_ =	shalt  }
0x50: {  	_ =	shalt  }
0x51: {  	_ =	shalt  }
0x52: {  	_ =	shalt  }
0x53: {  	_ =	shalt  }
0x54: {  	_ =	shalt  }
0x55: {  	_ =	shalt  }
0x56: {  	_ =	shalt  }
0x57: {  	_ =	shalt  }
0x58: {  	_ =	shalt  }
0x59: {  	_ =	shalt  }
0x5a: {  	_ =	shalt  }
0x5b: {  	_ =	shalt  }
0x5c: {  	_ =	shalt  }
0x5d: {  	_ =	shalt  }
0x5e: {  	_ =	shalt  }
0x5f: {  	_ =	shalt  }
0x60: {  	_ =	shalt  }
0x61: {  	_ =	shalt  }
0x62: {  	_ =	shalt  }
0x63: {  	_ =	shalt  }
0x64: {  	_ =	shalt  }
0x65: {  	_ =	shalt  }
0x66: {  	_ =	shalt  }
0x67: {  	_ =	shalt  }
0x68: {  	_ =	shalt  }
0x69: {  	_ =	shalt  }
0x6a: {  	_ =	shalt  }
0x6b: {  	_ =	shalt  }
0x6c: {  	_ =	shalt  }
0x6d: {  	_ =	shalt  }
0x6e: {  	_ =	shalt  }
0x6f: {  	_ =	shalt  }
0x70: {  	_ =	shalt  }
0x71: {  	_ =	shalt  }
0x72: {  	_ =	shalt  }
0x73: {  	_ =	shalt  }
0x74: {  	_ =	shalt  }
0x75: {  	_ =	shalt  }
0x76: {  	_ =	shalt  }
0x77: {  	_ =	shalt  }
0x78: {  	_ =	shalt  }
0x79: {  	_ =	shalt  }
0x7a: {  	_ =	shalt  }
0x7b: {  	_ =	shalt  }
0x7c: {  	_ =	shalt  }
0x7d: {  	_ =	shalt  }
0x7e: {  	_ =	shalt  }
0x7f: {  	_ =	shalt  }
0x80: {  	_ =	shalt  }
0x81: {  	_ =	shalt  }
0x82: {  	_ =	shalt  }
0x83: {  	_ =	shalt  }
0x84: {  	_ =	shalt  }
0x85: {  	_ =	shalt  }
0x86: {  	_ =	shalt  }
0x87: {  	_ =	shalt  }
.Lfunc_end0:
.L_simem_size_0:
called_computation_lowered:
.L_overlay_start_0:
0x88: {  	s2 =	sld [smem:$0x3FD9]  }
0x89: {  	s3 =	sld [smem:$0x3FFE];
	_ =	sdelay $0x1  }
0x8a: {  	s1 =	srdreg.scid  }
0x8b: {  	s0 =	sand.u32 $0x1, s1  }
0x8c: {  	s14 =	sshll.u32 s0, $0xA;
	s2 =	sadd.s32 s3, s2  }
0x8d: {  	s2 =	sadd.s32 s2, s14  }
0x8e: {  	[smem:$0x3FC6] =	sst s2  }
0x8f: {  	_ = 	snop  }
0x90: {  	s2 =	sld [smem:$0x3FD0];
	_ =	sdelay $0x2  }
0x91: {  	s15 =	simm.s32 $0xA;
	s4 =	simm.s32 $0x10  }
0x92: {  	[smem:s4], [sflag:s15] =	dma.local [hbm:s2], $0x1  }
0x93: {  	_ =	swait.eq [sflag:s15], $0x1  }
0x94: {  	[sflag:s15] =	ssyncset.done $0x0  }
0x95: {  	[sflag:s15] =	ssyncadd.s32 $0xFFFFFFFF  }
0x96: {  	s16 =	sld [smem:$0x11];
	(tm) =	ssettm $0x1  }
0x97: {  	s17 =	sld [smem:$0x3FFB];
	_ =	sdelay $0x3  }
0x98: {  	_ =	strace s17  }
0x99: {  	s3 =	sld [smem:$0x3FFC];
	_ =	sdelay $0x3  }
0x9a: {  	_ =	strace s3  }
0x9b: {  	s3 =	sld [smem:$0x3FFD];
	_ =	sdelay $0x3  }
0x9c: {  	_ =	strace s3  }
0x9d: {  	_ =	strace $0x8FFFFFFF  }
0x9e: {  	s18 =	sld [smem:$0x3FDB];
	_ =	sdelay $0x1  }
0x9f: {  	s19 =	simm.s32 $_scs_section_size  }
0xa0: {  	s5 =	simm.s32 $_size__tile_overlayer_lowered;
	s6 =	simm.s32 $_tile_overlayer_lowered  }
0xa1: {  	s22 =	simm.s32 $0x1BFF;
	s21 =	sshll.u32 s6, $0x1;
	s3 =	sadd.s32 s19, s18  }
0xa2: {  	s7 =	simm.s32 $0x0;
	s20 =	sshll.u32 s5, $0x1;
	s5 =	sadd.s32 s21, s3  }
0xa3: {  	[timem:s7], [sflag:s22] =	dma.local [hbm:s5], s20  }
0xa4: {  	_ =	swait.ge [sflag:s22], s20  }
0xa5: {  	s4 =	ssub.s32 $0x0, s20;
	[sflag:s22] =	ssyncset.done $0x0  }
0xa6: {  	[sflag:s22] =	ssyncadd.s32 s4;
	_ =	sdelay $0x1  }
0xa7: {  	s23 =	simm.s32 $0x1B8B  }
0xa8: {  	_ =	swait.ge [sflag:s23], $0x1  }
0xa9: {  	[sflag:s23] =	ssyncset.done $0x0  }
0xaa: {  	s25 =	simm.s32 $0x1B8E;
	s24 =	sld [smem:$0x3FFE];
	[sflag:s23] =	ssyncadd.s32 $0xFFFFFFFF  }
0xab: {  	s26 =	simm.s32 $execute0_lowered;
	[smem:$0x3FD2] =	sst s25  }
0xac: {  	s5 =	sshll.u32 s26, $0x1;
	_ =	strace $0x80000046;
	[dreg:$0x1] =	wrdreg $0xFFFFFFFF  }
0xad: {  	s28 =	simm.s32 $_size_execute0_lowered;
	s3 =	sadd.s32 s3, s5;
	[dreg:$0x0] =	wrdreg $0x0  }
0xae: {  	s5 =	sshll.u32 s28, $0x1;
	[dreg:$0x2] =	wrdreg s3  }
0xaf: {  	[dreg:$0x3] =	wrdreg s5  }
0xb0: {  	[dreg:$0x4] =	wrdreg $0xC0  }
0xb1: {  	_ =	task [dreg:s7], $0x5FFFF  }
0xb2: {  	[dreg:$0x1] =	wrdreg $0xFFFFFFFF  }
0xb3: {  	[dreg:$0x0] =	wrdreg $0x60  }
0xb4: {  	[dreg:$0x2] =	wrdreg s24  }
0xb5: {  	[dreg:$0x3] =	wrdreg s16  }
0xb6: {  	[dreg:$0x4] =	wrdreg $0x9  }
0xb7: {  	_ =	task.clear_ibuf [dreg:s7], $0x5FFFF;
	_ =	strace $0x90000046  }
0xb8: {  	s29 =	simm.s32 $0x9;
	_ =	strace $0x80000048  }
0xb9: {  	_ =	swait.ge [sflag:s29], $0x1  }
0xba: {  	[sflag:s29] =	ssyncadd.s32 $0xFFFFFFFF  }
0xbb: {  	_ =	strace $0x90000048  }
0xbc: {  	_ =	sfence  }
0xbd: {  	s30 =	sld [smem:$0x0];
	_ =	sdelay $0x2  }
0xbe: {  	s31 =	sshll.u32 s1, $0xD;
	s1 =	sshrl.u32 s1, $0x2  }
0xbf: {  	s3 =	sand.u32 $0x4000, s31;
	s1 =	sadd.s32 s1, s30  }
0xc0: {  	s0 =	sor.u32 s3, s0;
	s1 =	sshll.u32 s1, $0x11  }
0xc1: {  	s0 =	sor.u32 s1, s0  }
0xc2: {  	s0 =	sadd.s32 $0x8F2B, s0  }
0xc3: {  	[sflag:s0] =	ssyncadd.remote.s32 $0x1  }
0xc4: {  	_ =	sfence.sel $0xFFFF  }
0xc5: {  	[dreg:$0x0] =	wrdreg $0xFFFFFFFF;
	(pc) =	sbr.abs _section_cstart, $3  }
0xc6: {  	[dreg:$0x1] =	wrdreg $0xFFFFFFFF  }
0xc7: {  	_ =	task.clear_ibuf [dreg:s7], $0x2FFFF;
	_ =	strace $0x9FFFFFFF  }
0xc8: {  	(tm) =	ssettm $0x7FFFFFFF  }
0xc9: {  	_ =	shalt  }
tec
execute0_lowered:
.L_overlay_start_1:
0x0: {  	(tag) =	ssettag $0x1  }
0x1: {  	v0 =	vlaneseq.u32  }
0x2: {  	v0 =	vmul.u32 $0x40, v0;
	_ =	sdelay $0x1  }
0x3: {  	v1 =	vor.u32 $0x1, v0  }
0x4: {  	[tilespmem:$0x1FDE0] =	vst v1;
	v1 =	vor.u32 $0x2, v0  }
0x5: {  	[tilespmem:$0x1FDF0] =	vst v1;
	v1 =	vor.u32 $0x3, v0  }
0x6: {  	[tilespmem:$0x1FE00] =	vst v1;
	v1 =	vor.u32 $0x4, v0  }
0x7: {  	[tilespmem:$0x1FE10] =	vst v1;
	v1 =	vor.u32 $0x5, v0  }
0x8: {  	[tilespmem:$0x1FE20] =	vst v1;
	v1 =	vor.u32 $0x6, v0  }
0x9: {  	[tilespmem:$0x1FE30] =	vst v1;
	v1 =	vor.u32 $0x7, v0  }
0xa: {  	[tilespmem:$0x1FE40] =	vst v1;
	v1 =	vor.u32 $0x8, v0  }
0xb: {  	[tilespmem:$0x1FE50] =	vst v1;
	v1 =	vor.u32 $0x9, v0  }
0xc: {  	[tilespmem:$0x1FE60] =	vst v1;
	v1 =	vor.u32 $0xA, v0  }
0xd: {  	[tilespmem:$0x1FE70] =	vst v1;
	v1 =	vor.u32 $0xB, v0  }
0xe: {  	[tilespmem:$0x1FE80] =	vst v1;
	v1 =	vor.u32 $0xC, v0  }
0xf: {  	[tilespmem:$0x1FE90] =	vst v1;
	v1 =	vor.u32 $0xD, v0  }
0x10: {  	[tilespmem:$0x1FEA0] =	vst v1;
	v1 =	vor.u32 $0xE, v0  }
0x11: {  	[tilespmem:$0x1FEB0] =	vst v1;
	v1 =	vor.u32 $0xF, v0  }
0x12: {  	[tilespmem:$0x1FEC0] =	vst v1;
	v1 =	vor.u32 $0x10, v0  }
0x13: {  	[tilespmem:$0x1FED0] =	vst v1;
	v1 =	vor.u32 $0x11, v0  }
0x14: {  	[tilespmem:$0x1FEE0] =	vst v1;
	v1 =	vor.u32 $0x12, v0  }
0x15: {  	[tilespmem:$0x1FEF0] =	vst v1;
	v1 =	vor.u32 $0x13, v0  }
0x16: {  	[tilespmem:$0x1FF00] =	vst v1;
	v1 =	vor.u32 $0x14, v0  }
0x17: {  	[tilespmem:$0x1FF10] =	vst v1;
	v1 =	vor.u32 $0x15, v0  }
0x18: {  	[tilespmem:$0x1FF20] =	vst v1;
	v1 =	vor.u32 $0x16, v0  }
0x19: {  	s4 =	rddreg [dreg:$0x0];
	v35 =	vor.u32 $0x23, v0;
	v36 =	vor.u32 $0x24, v0;
	[tilespmem:$0x1FF30] =	vst v1;
	v1 =	vor.u32 $0x17, v0  }
0x1a: {  	s7 =	rddreg [dreg:$0x1];
	v37 =	vor.u32 $0x25, v0;
	v38 =	vor.u32 $0x26, v0;
	[tilespmem:$0x1FF40] =	vst v1;
	v1 =	vor.u32 $0x18, v0  }
0x1b: {  	s0 =	rddreg [dreg:$0x2];
	s3 =	srdreg.scid;
	s2 =	simm.s32 $0x0;
	v39 =	vor.u32 $0x27, v0;
	v40 =	vor.u32 $0x28, v0;
	[tilespmem:$0x1FF50] =	vst v1;
	v1 =	vor.u32 $0x19, v0  }
0x1c: {  	s1 =	stileid.u32;
	s13 =	simm.s32 $0x800;
	s15 =	simm.s32 $0xC00;
	v41 =	vor.u32 $0x29, v0;
	v42 =	vor.u32 $0x2A, v0;
	[tilespmem:$0x1FF60] =	vst v1;
	v1 =	vor.u32 $0x1A, v0  }
0x1d: {  	s14 =	simm.s32 $0x2;
	s16 =	simm.s32 $0x1000;
	s17 =	simm.s32 $0x600;
	v43 =	vor.u32 $0x2B, v0;
	v44 =	vor.u32 $0x2C, v0;
	[tilespmem:$0x1FF70] =	vst v1;
	v1 =	vor.u32 $0x1B, v0  }
0x1e: {  	s5 =	sand.u32 $0x1, s3;
	[smem:$0x7FF] =	sst s2;
	s28 =	sshll.u32 s1, $0xA;
	v45 =	vor.u32 $0x2D, v0;
	v46 =	vor.u32 $0x2E, v0;
	[tilespmem:$0x1FF80] =	vst v1;
	v1 =	vor.u32 $0x1C, v0  }
0x1f: {  	s18 =	simm.s32 $0x0;
	s8 =	sshll.u32 s1, $0xD;
	s6 =	sshll.u32 s5, $0x9;
	v47 =	vor.u32 $0x2F, v0;
	v48 =	vor.u32 $0x30, v0;
	[tilespmem:$0x1FF90] =	vst v1;
	v1 =	vor.u32 $0x1D, v0  }
0x20: {  	s8 =	sadd.s32 s8, s4;
	s29 =	ssub.s32 $0x2, s5;
	s12 =	sshll.u32 s5, $0xC;
	v49 =	vor.u32 $0x31, v0;
	v50 =	vor.u32 $0x32, v0;
	[tilespmem:$0x1FFA0] =	vst v1;
	v1 =	vor.u32 $0x1E, v0  }
0x21: {  	s3 =	sor.u32 s6, s28;
	s30 =	sshrl.u32 s29, $0x1;
	s31 =	sadd.s32 s12, s8;
	v51 =	vor.u32 $0x33, v0;
	v52 =	vor.u32 $0x34, v0;
	[tilespmem:$0x1FFB0] =	vst v1;
	v1 =	vor.u32 $0x1F, v0  }
.Ltmp0:
0x22: {  	v53 =	vor.u32 $0x35, v0;
	s12 =	simm.s32 $0x1;
	v54 =	vor.u32 $0x36, v0;
	s9 =	sshrl.u32 s3, $0x3;
	[tilespmem:$0x1FFC0] =	vst v1;
	v1 =	vor.u32 $0x20, v0;
	(pc) =	sbr.rel .LBB2_1-.Ltmp0, $4  }
0x23: {  	v55 =	vor.u32 $0x37, v0;
	v56 =	vor.u32 $0x38, v0;
	s3 =	sadd.s32 $0x22600, s4;
	s11 =	ssub.s32 s29, s30;
	s10 =	sadd.s32 s9, s4;
	[tilespmem:$0x1FFD0] =	vst v1;
	v1 =	vor.u32 $0x21, v0  }
0x24: {  	v57 =	vor.u32 $0x39, v0;
	v58 =	vor.u32 $0x3A, v0;
	s7 =	sadd.s32 s7, s9;
	s8 =	smax.u32 s11, $0x1;
	s9 =	sadd.s32 $0xE00, s31;
	[tilespmem:$0x1FFE0] =	vst v1;
	v1 =	vor.u32 $0x22, v0  }
0x25: {  	v59 =	vor.u32 $0x3B, v0;
	v60 =	vor.u32 $0x3C, v0;
	s11 =	simm.s32 $0x400;
	s4 =	sadd.s32 $0x20E00, s10;
	s5 =	sadd.s32 $0x21600, s10;
	[tilespmem:$0x1FFF0] =	vst v1  }
0x26: {  	vm0 =	vmmov $0xffff;
	v61 =	vor.u32 $0x3D, v0;
	v62 =	vor.u32 $0x3E, v0;
	s6 =	sadd.s32 $0x21E00, s10;
	s10 =	simm.s32 $0x200;
	_ =	strace $0x80000047  }
.LBB2_5:
0x27: {  	s18 =	sadd.s32 $0x1, s18  }
0x28: {  	p0 =	sne.s32 s18, s8  }
.Ltmp1:
0x29: {  	_ = 	snop;
	(pc) =	sbr.rel @!p0 .LBB2_6-.Ltmp1, $4  }
0x2a: {  	[hbm4b:s7+s2] =	stream.linear.scatter [tilespmem:s17], [sflag:$0x2], $0x200, $0x38;
	[tilespmem:$0x1400] =	vst v63  }
0x2b: {  	_ =	swait.ge [sflag:s14], $0x200  }
0x2c: {  	[sflag:s14] =	ssyncset.done $0x0  }
0x2d: {  	[sflag:s14] =	ssyncadd.s32 $0xFFFFFE00  }
.LBB2_1:
0x2e: {  	[tilespmem:s2], [sflag:$0x1] =	stream.linear.gather [hbm4b:s4+s2], $0x200, $0x38;
	[tilespmem:$0x1400] =	vst v63  }
0x2f: {  	_ = 	snop  }
0x30: {  	[tilespmem:s10], [sflag:$0x1] =	stream.linear.gather [hbm4b:s5+s2], $0x200, $0x38;
	[tilespmem:$0x1400] =	vst v63  }
0x31: {  	_ = 	snop  }
0x32: {  	[tilespmem:s11], [sflag:$0x1] =	stream.linear.gather [hbm4b:s6+s2], $0x200, $0x38;
	[tilespmem:$0x1400] =	vst v63  }
0x33: {  	_ =	swait.ge [sflag:s12], $0x200  }
0x34: {  	[sflag:s12] =	ssyncset.done $0x0  }
0x35: {  	[sflag:s12] =	ssyncadd.s32 $0xFFFFFE00  }
0x36: {  	_ =	swait.ge [sflag:s12], $0x200  }
.Ltmp2:
0x37: {  	[sflag:s12] =	ssyncset.done $0x0;
	(pc) =	sbr.rel .LBB2_2-.Ltmp2, $4  }
0x38: {  	[sflag:s12] =	ssyncadd.s32 $0xFFFFFE00  }
0x39: {  	_ =	swait.ge [sflag:s12], $0x200  }
0x3a: {  	[sflag:s12] =	ssyncset.done $0x0  }
0x3b: {  	s19 =	smov.u32 s9;
	s20 =	simm.s32 $0x0;
	[sflag:s12] =	ssyncadd.s32 $0xFFFFFE00  }
.LBB2_4:
0x3c: {  	s20 =	sadd.s32 $0x40, s20  }
0x3d: {  	p0 =	sne.s32 s20, $0x800  }
.Ltmp3:
0x3e: {  	_ = 	snop;
	(pc) =	sbr.rel @!p0 .LBB2_5-.Ltmp3, $2  }
0x3f: {  	_ =	sdelay $0x2  }
0x40: {  	[tilespmem:s21+$0x600] =	vst v63;
	s19 =	sadd.s32 $0x80, s19  }
.LBB2_2:
0x41: {  	s21 =	sshra.s32 s20, $0x2  }
0x42: {  	v1 =	vld [tilespmem:s21+$0x400];
	_ =	sdelay $0x4  }
0x43: {  	vm1 =	vlt.f32 v1, $9.999999770e-03  }
0x44: {  	v1 =	vmpcnt.ones.xlane vm1;
	_ =	sdelay $0x1  }
0x45: {  	(v2sf) =	vpush v1, $0x0;
	_ =	sdelay $0xe  }
0x46: {  	s22 =	spop (v2sf)  }
0x47: {  	p0 =	slt.s32 s22, $0x1  }
.Ltmp4:
0x48: {  	_ = 	snop;
	(pc) =	sbr.rel @p0 .LBB2_4-.Ltmp4, $2  }
0x49: {  	_ =	sdelay $0x2  }
0x4a: {  	v63 =	vld [tilespmem:s21+$0x0]  }
0x4b: {  	_ =	sdelay $0x3  }
0x4c: {  	v1 =	vld [tilespmem:s21+$0x200];
	[tilespmem:s13], [sflag:$0x2] =	stream.linear.gather [hbm4b:s19+s2], $0x400, $0x38  }
0x4d: {  	_ =	swait.ge [sflag:s14], $0x400  }
0x4e: {  	[sflag:s14] =	ssyncset.done $0x0  }
0x4f: {  	[sflag:s14] =	ssyncadd.s32 $0xFFFFFC00  }
0x50: {  	[tilespmem:s15], [sflag:$0x1] =	stream.indirect_vreg.gather [hbm4b:s3+s2], $0x40, v63, vm0, $0xb8;
	[tilespmem:$0x1400] =	vst v63  }
0x51: {  	_ =	swait.ge [sflag:s12], $0x400  }
0x52: {  	[sflag:s12] =	ssyncset.done $0x0  }
0x53: {  	[sflag:s12] =	ssyncadd.s32 $0xFFFFFC00  }
0x54: {  	[tilespmem:s16], [sflag:$0x1] =	stream.indirect_vreg.gather [hbm4b:s3+s2], $0x40, v1, vm0, $0xb8;
	[tilespmem:$0x1400] =	vst v63  }
0x55: {  	_ =	swait.ge [sflag:s12], $0x400  }
0x56: {  	v7 =	vld [tilespmem:$0x1FDE0];
	_ =	sdelay $0x1  }
0x57: {  	v10 =	vld [tilespmem:$0x1FDF0];
	_ =	sdelay $0x1  }
0x58: {  	[sflag:s12] =	ssyncset.done $0x0;
	v13 =	vld [tilespmem:$0x1FE00]  }
0x59: {  	v34 =	vld [tilespmem:$0x1FE80];
	[sflag:s12] =	ssyncadd.s32 $0xFFFFFC00  }
0x5a: {  	v2 =	vld.idx.msk [tilespmem:v0+s13+$0x0], $0xffff  }
0x5b: {  	v3 =	vld.idx.msk [tilespmem:v0+s15+$0x0], $0xffff  }
0x5c: {  	v5 =	vld.idx.msk [tilespmem:v7+s13+$0x0], $0xffff  }
0x5d: {  	v6 =	vld.idx.msk [tilespmem:v7+s15+$0x0], $0xffff  }
0x5e: {  	v8 =	vld.idx.msk [tilespmem:v10+s13+$0x0], $0xffff  }
0x5f: {  	v9 =	vld.idx.msk [tilespmem:v10+s15+$0x0], $0xffff  }
0x60: {  	v10 =	vld.idx.msk [tilespmem:v10+s16+$0x0], $0xffff;
	_ =	sdelay $0x1  }
0x61: {  	v4 =	vld.idx.msk [tilespmem:v0+s16+$0x0], $0xffff;
	v3 =	vsub.f32 v2, v3;
	v6 =	vsub.f32 v5, v6  }
0x62: {  	v7 =	vld.idx.msk [tilespmem:v7+s16+$0x0], $0xffff  }
0x63: {  	v33 =	vld.idx.msk [tilespmem:v34+s13+$0x0], $0xffff;
	v3 =	vmul.f32 v3, v3;
	v6 =	vmul.f32 v6, v6  }
0x64: {  	v9 =	vsub.f32 v8, v9;
	v8 =	vsub.f32 v8, v10;
	v10 =	vld.idx.msk [tilespmem:v34+s15+$0x0], $0xffff  }
0x65: {  	v3 =	vadd.f32 v6, v3;
	v6 =	vld.idx.msk [tilespmem:v34+s16+$0x0], $0xffff  }
0x66: {  	v34 =	vld [tilespmem:$0x1FE90]  }
0x67: {  	v11 =	vld.idx.msk [tilespmem:v13+s13+$0x0], $0xffff  }
0x68: {  	v12 =	vld.idx.msk [tilespmem:v13+s15+$0x0], $0xffff  }
0x69: {  	v2 =	vsub.f32 v2, v4;
	v13 =	vld.idx.msk [tilespmem:v13+s16+$0x0], $0xffff;
	v5 =	vsub.f32 v5, v7;
	_ =	sdelay $0x1  }
0x6a: {  	v16 =	vld [tilespmem:$0x1FE10];
	v2 =	vmul.f32 v2, v2;
	v5 =	vmul.f32 v5, v5;
	_ =	sdelay $0x1  }
0x6b: {  	v19 =	vld [tilespmem:$0x1FE20];
	v2 =	vadd.f32 v5, v2;
	v5 =	vmul.f32 v9, v9  }
0x6c: {  	v8 =	vmul.f32 v8, v8;
	v9 =	vsub.f32 v11, v12;
	v11 =	vsub.f32 v11, v13;
	v12 =	vld.idx.msk [tilespmem:v34+s13+$0x0], $0xffff  }
0x6d: {  	v3 =	vadd.f32 v5, v3;
	v5 =	vld.idx.msk [tilespmem:v34+s15+$0x0], $0xffff  }
0x6e: {  	v2 =	vadd.f32 v8, v2;
	v8 =	vmul.f32 v9, v9;
	v9 =	vmul.f32 v11, v11;
	v11 =	vld.idx.msk [tilespmem:v34+s16+$0x0], $0xffff  }
0x6f: {  	v34 =	vld [tilespmem:$0x1FEA0]  }
0x70: {  	v22 =	vld [tilespmem:$0x1FE30]  }
0x71: {  	v14 =	vld.idx.msk [tilespmem:v16+s13+$0x0], $0xffff  }
0x72: {  	v15 =	vld.idx.msk [tilespmem:v16+s15+$0x0], $0xffff  }
0x73: {  	v16 =	vld.idx.msk [tilespmem:v16+s16+$0x0], $0xffff  }
0x74: {  	v17 =	vld.idx.msk [tilespmem:v19+s13+$0x0], $0xffff  }
0x75: {  	v18 =	vld.idx.msk [tilespmem:v19+s15+$0x0], $0xffff  }
0x76: {  	v19 =	vld.idx.msk [tilespmem:v19+s16+$0x0], $0xffff  }
0x77: {  	v13 =	vsub.f32 v14, v15;
	v15 =	vld.idx.msk [tilespmem:v34+s13+$0x0], $0xffff  }
0x78: {  	v3 =	vadd.f32 v8, v3;
	v8 =	vld.idx.msk [tilespmem:v34+s15+$0x0], $0xffff  }
0x79: {  	v14 =	vsub.f32 v14, v16;
	v16 =	vld.idx.msk [tilespmem:v34+s16+$0x0], $0xffff  }
0x7a: {  	v34 =	vld [tilespmem:$0x1FEB0]  }
0x7b: {  	v20 =	vld.idx.msk [tilespmem:v22+s13+$0x0], $0xffff  }
0x7c: {  	v21 =	vld.idx.msk [tilespmem:v22+s15+$0x0], $0xffff  }
0x7d: {  	v22 =	vld.idx.msk [tilespmem:v22+s16+$0x0], $0xffff;
	_ =	sdelay $0x1  }
0x7e: {  	v25 =	vld [tilespmem:$0x1FE40]  }
0x7f: {  	v28 =	vld [tilespmem:$0x1FE50];
	v2 =	vadd.f32 v9, v2  }
0x80: {  	v31 =	vld [tilespmem:$0x1FE60];
	v9 =	vmul.f32 v13, v13;
	v13 =	vmul.f32 v14, v14;
	v14 =	vsub.f32 v17, v18  }
0x81: {  	v17 =	vsub.f32 v17, v19;
	v19 =	vsub.f32 v20, v22;
	v18 =	vld.idx.msk [tilespmem:v34+s13+$0x0], $0xffff  }
0x82: {  	v3 =	vadd.f32 v9, v3;
	v2 =	vadd.f32 v13, v2;
	v13 =	vld.idx.msk [tilespmem:v34+s15+$0x0], $0xffff  }
0x83: {  	v9 =	vmul.f32 v14, v14;
	v14 =	vmul.f32 v17, v17;
	v17 =	vsub.f32 v20, v21;
	v20 =	vld.idx.msk [tilespmem:v34+s16+$0x0], $0xffff  }
0x84: {  	v34 =	vld [tilespmem:$0x1FEC0]  }
0x85: {  	v32 =	vld [tilespmem:$0x1FE70]  }
0x86: {  	v23 =	vld.idx.msk [tilespmem:v25+s13+$0x0], $0xffff  }
0x87: {  	v24 =	vld.idx.msk [tilespmem:v25+s15+$0x0], $0xffff  }
0x88: {  	v25 =	vld.idx.msk [tilespmem:v25+s16+$0x0], $0xffff  }
0x89: {  	v26 =	vld.idx.msk [tilespmem:v28+s13+$0x0], $0xffff  }
0x8a: {  	v27 =	vld.idx.msk [tilespmem:v28+s15+$0x0], $0xffff  }
0x8b: {  	v29 =	vld.idx.msk [tilespmem:v31+s13+$0x0], $0xffff  }
0x8c: {  	v3 =	vadd.f32 v9, v3;
	v9 =	vld.idx.msk [tilespmem:v34+s13+$0x0], $0xffff  }
0x8d: {  	v2 =	vadd.f32 v14, v2;
	v14 =	vmul.f32 v17, v17;
	v17 =	vmul.f32 v19, v19;
	v19 =	vld.idx.msk [tilespmem:v34+s15+$0x0], $0xffff  }
0x8e: {  	v24 =	vsub.f32 v23, v24;
	v25 =	vsub.f32 v23, v25;
	v23 =	vld.idx.msk [tilespmem:v34+s16+$0x0], $0xffff  }
0x8f: {  	v34 =	vld [tilespmem:$0x1FED0]  }
0x90: {  	v30 =	vld.idx.msk [tilespmem:v31+s15+$0x0], $0xffff  }
0x91: {  	v31 =	vld.idx.msk [tilespmem:v31+s16+$0x0], $0xffff  }
0x92: {  	v28 =	vld.idx.msk [tilespmem:v28+s16+$0x0], $0xffff  }
0x93: {  	v4 =	vld.idx.msk [tilespmem:v32+s13+$0x0], $0xffff  }
0x94: {  	v7 =	vld.idx.msk [tilespmem:v32+s15+$0x0], $0xffff  }
0x95: {  	v32 =	vld.idx.msk [tilespmem:v32+s16+$0x0], $0xffff  }
0x96: {  	v22 =	vsub.f32 v26, v27;
	v27 =	vsub.f32 v29, v31;
	v31 =	vld [tilespmem:$0x1FF00]  }
0x97: {  	v3 =	vadd.f32 v14, v3;
	v14 =	vld.idx.msk [tilespmem:v34+s13+$0x0], $0xffff  }
0x98: {  	v2 =	vadd.f32 v17, v2;
	v17 =	vmul.f32 v24, v24;
	v24 =	vld.idx.msk [tilespmem:v34+s15+$0x0], $0xffff  }
0x99: {  	v28 =	vsub.f32 v26, v28;
	v26 =	vld.idx.msk [tilespmem:v34+s16+$0x0], $0xffff  }
0x9a: {  	v34 =	vld [tilespmem:$0x1FEE0]  }
0x9b: {  	v21 =	vmul.f32 v25, v25  }
0x9c: {  	v25 =	vsub.f32 v29, v30;
	v3 =	vadd.f32 v17, v3  }
0x9d: {  	v2 =	vadd.f32 v21, v2;
	v17 =	vmul.f32 v22, v22;
	v22 =	vmul.f32 v28, v28  }
0x9e: {  	v7 =	vsub.f32 v4, v7;
	v4 =	vsub.f32 v4, v32  }
0x9f: {  	v32 =	vld [tilespmem:$0x1FF10];
	v2 =	vadd.f32 v22, v2;
	v22 =	vmul.f32 v25, v25;
	v25 =	vmul.f32 v27, v27  }
0xa0: {  	v30 =	vld.idx.msk [tilespmem:v31+s15+$0x0], $0xffff  }
0xa1: {  	v2 =	vadd.f32 v25, v2;
	v25 =	vld.idx.msk [tilespmem:v31+s13+$0x0], $0xffff  }
0xa2: {  	v3 =	vadd.f32 v17, v3;
	v21 =	vld.idx.msk [tilespmem:v34+s13+$0x0], $0xffff  }
0xa3: {  	v28 =	vld.idx.msk [tilespmem:v34+s15+$0x0], $0xffff  }
0xa4: {  	v7 =	vmul.f32 v7, v7;
	v3 =	vadd.f32 v22, v3;
	v17 =	vld.idx.msk [tilespmem:v34+s16+$0x0], $0xffff  }
0xa5: {  	v34 =	vld [tilespmem:$0x1FEF0]  }
0xa6: {  	v3 =	vadd.f32 v7, v3;
	v7 =	vld.idx.msk [tilespmem:v31+s16+$0x0], $0xffff;
	v31 =	vsub.f32 v12, v11;
	_ =	sdelay $0x1  }
0xa7: {  	v10 =	vsub.f32 v33, v10;
	v6 =	vsub.f32 v33, v6;
	v33 =	vmul.f32 v31, v31;
	v31 =	vld [tilespmem:$0x1FF20];
	_ =	sdelay $0x1  }
0xa8: {  	v4 =	vmul.f32 v4, v4  }
0xa9: {  	v11 =	vld.idx.msk [tilespmem:v32+s13+$0x0], $0xffff  }
0xaa: {  	v6 =	vmul.f32 v6, v6;
	v2 =	vadd.f32 v4, v2;
	v4 =	vld.idx.msk [tilespmem:v32+s15+$0x0], $0xffff  }
0xab: {  	v27 =	vld.idx.msk [tilespmem:v34+s13+$0x0], $0xffff  }
0xac: {  	v2 =	vadd.f32 v6, v2;
	v29 =	vld.idx.msk [tilespmem:v34+s15+$0x0], $0xffff  }
0xad: {  	v5 =	vsub.f32 v12, v5;
	v22 =	vld.idx.msk [tilespmem:v34+s16+$0x0], $0xffff;
	v34 =	vmul.f32 v10, v10  }
0xae: {  	v2 =	vadd.f32 v33, v2;
	v33 =	vsub.f32 v18, v13;
	v13 =	vld.idx.msk [tilespmem:v31+s16+$0x0], $0xffff  }
0xaf: {  	v5 =	vmul.f32 v5, v5;
	v10 =	vld.idx.msk [tilespmem:v32+s16+$0x0], $0xffff;
	v3 =	vadd.f32 v34, v3  }
0xb0: {  	v8 =	vsub.f32 v15, v8;
	v34 =	vsub.f32 v15, v16;
	v15 =	vld.idx.msk [tilespmem:v31+s13+$0x0], $0xffff  }
0xb1: {  	v3 =	vadd.f32 v5, v3;
	v5 =	vld.idx.msk [tilespmem:v31+s15+$0x0], $0xffff  }
0xb2: {  	v6 =	vmul.f32 v8, v8;
	v32 =	vmul.f32 v34, v34;
	v31 =	vld [tilespmem:$0x1FF30]  }
0xb3: {  	v34 =	vsub.f32 v18, v20  }
0xb4: {  	v3 =	vadd.f32 v6, v3;
	v2 =	vadd.f32 v32, v2  }
0xb5: {  	v32 =	vmul.f32 v33, v33;
	v33 =	vmul.f32 v34, v34;
	v34 =	vsub.f32 v9, v19;
	_ =	sdelay $0x1  }
0xb6: {  	v3 =	vadd.f32 v32, v3;
	v32 =	vmul.f32 v34, v34;
	v34 =	vld [tilespmem:$0x1FF50];
	_ =	sdelay $0x2  }
0xb7: {  	v18 =	vld.idx.msk [tilespmem:v31+s13+$0x0], $0xffff  }
0xb8: {  	v9 =	vsub.f32 v9, v23;
	v8 =	vld.idx.msk [tilespmem:v31+s15+$0x0], $0xffff  }
0xb9: {  	v19 =	vld.idx.msk [tilespmem:v31+s16+$0x0], $0xffff  }
0xba: {  	v2 =	vadd.f32 v33, v2;
	v9 =	vmul.f32 v9, v9;
	v31 =	vld [tilespmem:$0x1FF40];
	_ =	sdelay $0x1  }
0xbb: {  	v2 =	vadd.f32 v9, v2;
	v9 =	vld.idx.msk [tilespmem:v34+s13+$0x0], $0xffff  }
0xbc: {  	v17 =	vsub.f32 v21, v17;
	v33 =	vsub.f32 v14, v24;
	v24 =	vld.idx.msk [tilespmem:v34+s15+$0x0], $0xffff  }
0xbd: {  	v3 =	vadd.f32 v32, v3;
	v32 =	vsub.f32 v21, v28;
	v21 =	vld.idx.msk [tilespmem:v34+s16+$0x0], $0xffff  }
0xbe: {  	v34 =	vld [tilespmem:$0x1FF60];
	_ =	sdelay $0x1  }
0xbf: {  	v14 =	vsub.f32 v14, v26;
	v28 =	vld [tilespmem:$0x1FFB0]  }
0xc0: {  	v6 =	vld.idx.msk [tilespmem:v31+s13+$0x0], $0xffff  }
0xc1: {  	v14 =	vmul.f32 v14, v14;
	v16 =	vld.idx.msk [tilespmem:v31+s15+$0x0], $0xffff  }
0xc2: {  	v23 =	vld.idx.msk [tilespmem:v31+s16+$0x0], $0xffff;
	v31 =	vmul.f32 v33, v33  }
0xc3: {  	v17 =	vmul.f32 v17, v17;
	v2 =	vadd.f32 v14, v2  }
0xc4: {  	v33 =	vmul.f32 v32, v32;
	v32 =	vsub.f32 v27, v29;
	v3 =	vadd.f32 v31, v3;
	v31 =	vld [tilespmem:$0x1FF90]  }
0xc5: {  	v22 =	vsub.f32 v27, v22;
	v14 =	vld.idx.msk [tilespmem:v34+s13+$0x0], $0xffff  }
0xc6: {  	v2 =	vadd.f32 v17, v2;
	v17 =	vmul.f32 v32, v32;
	v26 =	vld.idx.msk [tilespmem:v34+s15+$0x0], $0xffff  }
0xc7: {  	v32 =	vsub.f32 v25, v30;
	v3 =	vadd.f32 v33, v3;
	v12 =	vld.idx.msk [tilespmem:v34+s16+$0x0], $0xffff;
	v33 =	vmul.f32 v22, v22  }
0xc8: {  	v4 =	vsub.f32 v11, v4;
	v34 =	vld [tilespmem:$0x1FF70]  }
0xc9: {  	v3 =	vadd.f32 v17, v3;
	v2 =	vadd.f32 v33, v2;
	v33 =	vmul.f32 v32, v32  }
0xca: {  	v20 =	vld.idx.msk [tilespmem:v28+s13+$0x0], $0xffff  }
0xcb: {  	v4 =	vmul.f32 v4, v4;
	v3 =	vadd.f32 v33, v3;
	v33 =	vld [tilespmem:$0x1FFA0]  }
0xcc: {  	v13 =	vsub.f32 v15, v13;
	v5 =	vsub.f32 v15, v5;
	v15 =	vld.idx.msk [tilespmem:v31+s13+$0x0], $0xffff  }
0xcd: {  	v3 =	vadd.f32 v4, v3;
	v4 =	vld.idx.msk [tilespmem:v31+s15+$0x0], $0xffff  }
0xce: {  	v32 =	vmul.f32 v13, v13;
	v13 =	vld.idx.msk [tilespmem:v31+s16+$0x0], $0xffff  }
0xcf: {  	v7 =	vsub.f32 v25, v7;
	v31 =	vld [tilespmem:$0x1FFC0]  }
0xd0: {  	v22 =	vld.idx.msk [tilespmem:v34+s13+$0x0], $0xffff  }
0xd1: {  	v7 =	vmul.f32 v7, v7;
	v10 =	vsub.f32 v11, v10;
	v25 =	vld.idx.msk [tilespmem:v34+s15+$0x0], $0xffff  }
0xd2: {  	v5 =	vmul.f32 v5, v5;
	v8 =	vsub.f32 v18, v8;
	v30 =	vsub.f32 v9, v24;
	v17 =	vld.idx.msk [tilespmem:v34+s16+$0x0], $0xffff  }
0xd3: {  	v10 =	vmul.f32 v10, v10;
	v9 =	vsub.f32 v9, v21;
	v2 =	vadd.f32 v7, v2;
	v34 =	vld [tilespmem:$0x1FF80]  }
0xd4: {  	v8 =	vmul.f32 v8, v8;
	v21 =	vld.idx.msk [tilespmem:v28+s16+$0x0], $0xffff;
	v16 =	vsub.f32 v6, v16;
	v3 =	vadd.f32 v5, v3  }
0xd5: {  	v2 =	vadd.f32 v10, v2;
	v10 =	vld.idx.msk [tilespmem:v28+s15+$0x0], $0xffff  }
0xd6: {  	v18 =	vsub.f32 v18, v19;
	v29 =	vmul.f32 v16, v16;
	v3 =	vadd.f32 v8, v3;
	v19 =	vld.idx.msk [tilespmem:v33+s13+$0x0], $0xffff  }
0xd7: {  	v5 =	vld.idx.msk [tilespmem:v33+s15+$0x0], $0xffff  }
0xd8: {  	v2 =	vadd.f32 v32, v2;
	v32 =	vmul.f32 v30, v30;
	v3 =	vadd.f32 v29, v3;
	v8 =	vld.idx.msk [tilespmem:v31+s13+$0x0], $0xffff  }
0xd9: {  	v16 =	vld.idx.msk [tilespmem:v31+s15+$0x0], $0xffff  }
0xda: {  	v3 =	vadd.f32 v32, v3;
	v32 =	vld [tilespmem:$0x1FFF0]  }
0xdb: {  	v27 =	vld.idx.msk [tilespmem:v34+s13+$0x0], $0xffff  }
0xdc: {  	v11 =	vld.idx.msk [tilespmem:v34+s15+$0x0], $0xffff  }
0xdd: {  	v7 =	vld.idx.msk [tilespmem:v34+s16+$0x0], $0xffff  }
0xde: {  	v34 =	vmul.f32 v18, v18;
	v18 =	vld.idx.msk [tilespmem:v33+s16+$0x0], $0xffff  }
0xdf: {  	v12 =	vsub.f32 v14, v12;
	v33 =	vsub.f32 v14, v26;
	v14 =	vld.idx.msk [tilespmem:v31+s16+$0x0], $0xffff  }
0xe0: {  	v31 =	vld [tilespmem:$0x1FFE0]  }
0xe1: {  	v10 =	vsub.f32 v20, v10;
	v26 =	vsub.f32 v20, v21;
	v20 =	vld.idx.msk [tilespmem:v36+s13+$0x0], $0xffff  }
0xe2: {  	v13 =	vsub.f32 v15, v13;
	v21 =	vld.idx.msk [tilespmem:v43+s15+$0x0], $0xffff  }
0xe3: {  	v2 =	vadd.f32 v34, v2;
	v34 =	vld [tilespmem:$0x1FFD0];
	v28 =	vmul.f32 v33, v33  }
0xe4: {  	v6 =	vsub.f32 v6, v23;
	v29 =	vsub.f32 v22, v25;
	v33 =	vmul.f32 v13, v13;
	v13 =	vld.idx.msk [tilespmem:v35+s13+$0x0], $0xffff  }
0xe5: {  	v5 =	vsub.f32 v19, v5;
	v3 =	vadd.f32 v28, v3;
	v28 =	vld.idx.msk [tilespmem:v36+s16+$0x0], $0xffff  }
0xe6: {  	v6 =	vmul.f32 v6, v6;
	v16 =	vsub.f32 v8, v16;
	v18 =	vsub.f32 v19, v18;
	v19 =	vld.idx.msk [tilespmem:v35+s15+$0x0], $0xffff  }
0xe7: {  	v9 =	vmul.f32 v9, v9;
	v8 =	vsub.f32 v8, v14;
	v14 =	vld.idx.msk [tilespmem:v37+s13+$0x0], $0xffff  }
0xe8: {  	v30 =	vmul.f32 v29, v29;
	v2 =	vadd.f32 v6, v2;
	v29 =	vmul.f32 v16, v16;
	v16 =	vld.idx.msk [tilespmem:v39+s15+$0x0], $0xffff  }
0xe9: {  	v11 =	vsub.f32 v27, v11;
	v7 =	vsub.f32 v27, v7;
	v27 =	vmul.f32 v26, v26;
	v26 =	vld.idx.msk [tilespmem:v40+s15+$0x0], $0xffff  }
0xea: {  	v12 =	vmul.f32 v12, v12;
	v4 =	vsub.f32 v15, v4;
	v2 =	vadd.f32 v9, v2;
	v15 =	vld.idx.msk [tilespmem:v32+s15+$0x0], $0xffff  }
0xeb: {  	v25 =	vmul.f32 v18, v18;
	v18 =	vld.idx.msk [tilespmem:v58+s15+$0x0], $0xffff  }
0xec: {  	v2 =	vadd.f32 v12, v2;
	v12 =	vld.idx.msk [tilespmem:v31+s13+$0x0], $0xffff  }
0xed: {  	v23 =	vld.idx.msk [tilespmem:v31+s15+$0x0], $0xffff  }
0xee: {  	v3 =	vadd.f32 v30, v3;
	v11 =	vmul.f32 v11, v11;
	v9 =	vld.idx.msk [tilespmem:v31+s16+$0x0], $0xffff  }
0xef: {  	v31 =	vld.idx.msk [tilespmem:v37+s16+$0x0], $0xffff  }
0xf0: {  	v17 =	vsub.f32 v22, v17;
	v3 =	vadd.f32 v11, v3;
	v11 =	vld.idx.msk [tilespmem:v38+s15+$0x0], $0xffff  }
0xf1: {  	v6 =	vld.idx.msk [tilespmem:v34+s13+$0x0], $0xffff  }
0xf2: {  	v17 =	vmul.f32 v17, v17;
	v24 =	vld.idx.msk [tilespmem:v34+s15+$0x0], $0xffff  }
0xf3: {  	v4 =	vmul.f32 v4, v4;
	v22 =	vld.idx.msk [tilespmem:v34+s16+$0x0], $0xffff  }
0xf4: {  	v7 =	vmul.f32 v7, v7;
	v2 =	vadd.f32 v17, v2;
	v17 =	vld.idx.msk [tilespmem:v32+s13+$0x0], $0xffff  }
0xf5: {  	v34 =	vmul.f32 v5, v5;
	v5 =	vld.idx.msk [tilespmem:v35+s16+$0x0], $0xffff;
	v3 =	vadd.f32 v4, v3  }
0xf6: {  	v4 =	vld.idx.msk [tilespmem:v36+s15+$0x0], $0xffff;
	v2 =	vadd.f32 v7, v2  }
0xf7: {  	v10 =	vmul.f32 v10, v10;
	v7 =	vld.idx.msk [tilespmem:v32+s16+$0x0], $0xffff;
	v3 =	vadd.f32 v34, v3  }
0xf8: {  	v34 =	vld.idx.msk [tilespmem:v38+s16+$0x0], $0xffff;
	v2 =	vadd.f32 v33, v2  }
0xf9: {  	v3 =	vadd.f32 v10, v3;
	v10 =	vld.idx.msk [tilespmem:v37+s15+$0x0], $0xffff;
	v30 =	vsub.f32 v6, v24  }
0xfa: {  	v6 =	vsub.f32 v6, v22;
	v22 =	vld.idx.msk [tilespmem:v38+s13+$0x0], $0xffff;
	v5 =	vsub.f32 v13, v5  }
0xfb: {  	v2 =	vadd.f32 v25, v2;
	v25 =	vsub.f32 v13, v19;
	v13 =	vld.idx.msk [tilespmem:v40+s16+$0x0], $0xffff  }
0xfc: {  	v28 =	vsub.f32 v20, v28;
	v4 =	vsub.f32 v20, v4;
	v20 =	vld.idx.msk [tilespmem:v51+s15+$0x0], $0xffff  }
0xfd: {  	v15 =	vsub.f32 v17, v15;
	v7 =	vsub.f32 v17, v7;
	v17 =	vld.idx.msk [tilespmem:v39+s16+$0x0], $0xffff  }
0xfe: {  	v3 =	vadd.f32 v29, v3;
	v29 =	vld.idx.msk [tilespmem:v41+s15+$0x0], $0xffff  }
0xff: {  	v8 =	vmul.f32 v8, v8;
	v24 =	vmul.f32 v15, v15;
	v15 =	vld.idx.msk [tilespmem:v42+s13+$0x0], $0xffff;
	v2 =	vadd.f32 v27, v2  }
0x100: {  	v9 =	vsub.f32 v12, v9;
	v33 =	vsub.f32 v12, v23;
	v27 =	vmul.f32 v25, v25;
	v25 =	vld.idx.msk [tilespmem:v44+s16+$0x0], $0xffff  }
0x101: {  	v32 =	vmul.f32 v30, v30;
	v6 =	vmul.f32 v6, v6;
	v2 =	vadd.f32 v8, v2;
	v8 =	vld.idx.msk [tilespmem:v39+s13+$0x0], $0xffff  }
0x102: {  	v10 =	vsub.f32 v14, v10;
	v14 =	vsub.f32 v14, v31;
	v31 =	vld.idx.msk [tilespmem:v42+s15+$0x0], $0xffff  }
0x103: {  	v23 =	vmul.f32 v33, v33;
	v3 =	vadd.f32 v32, v3;
	v2 =	vadd.f32 v6, v2;
	v6 =	vld.idx.msk [tilespmem:v40+s13+$0x0], $0xffff  }
0x104: {  	v11 =	vsub.f32 v22, v11;
	v33 =	vmul.f32 v14, v14;
	v14 =	vld.idx.msk [tilespmem:v43+s13+$0x0], $0xffff  }
0x105: {  	v9 =	vmul.f32 v9, v9;
	v3 =	vadd.f32 v23, v3;
	v32 =	vmul.f32 v10, v10;
	v10 =	vld.idx.msk [tilespmem:v43+s16+$0x0], $0xffff  }
0x106: {  	v12 =	vsub.f32 v22, v34;
	v34 =	vmul.f32 v11, v11;
	v11 =	vld.idx.msk [tilespmem:v46+s15+$0x0], $0xffff  }
0x107: {  	v3 =	vadd.f32 v24, v3;
	v2 =	vadd.f32 v9, v2;
	v9 =	vld.idx.msk [tilespmem:v41+s13+$0x0], $0xffff  }
0x108: {  	v7 =	vmul.f32 v7, v7;
	v23 =	vsub.f32 v8, v16;
	v16 =	vld.idx.msk [tilespmem:v44+s13+$0x0], $0xffff  }
0x109: {  	v4 =	vmul.f32 v4, v4;
	v3 =	vadd.f32 v27, v3;
	v8 =	vsub.f32 v8, v17;
	v17 =	vld.idx.msk [tilespmem:v51+s13+$0x0], $0xffff  }
0x10a: {  	v2 =	vadd.f32 v7, v2;
	v7 =	vld.idx.msk [tilespmem:v41+s16+$0x0], $0xffff  }
0x10b: {  	v5 =	vmul.f32 v5, v5;
	v3 =	vadd.f32 v4, v3;
	v4 =	vld.idx.msk [tilespmem:v42+s16+$0x0], $0xffff  }
0x10c: {  	v26 =	vsub.f32 v6, v26;
	v6 =	vsub.f32 v6, v13;
	v13 =	vld.idx.msk [tilespmem:v45+s13+$0x0], $0xffff  }
0x10d: {  	v2 =	vadd.f32 v5, v2;
	v5 =	vld.idx.msk [tilespmem:v44+s15+$0x0], $0xffff  }
0x10e: {  	v30 =	vmul.f32 v28, v28;
	v28 =	vsub.f32 v9, v29;
	v29 =	vld.idx.msk [tilespmem:v45+s16+$0x0], $0xffff  }
0x10f: {  	v3 =	vadd.f32 v32, v3;
	v32 =	vld.idx.msk [tilespmem:v46+s16+$0x0], $0xffff  }
0x110: {  	v22 =	vmul.f32 v12, v12;
	v12 =	vsub.f32 v16, v25;
	v25 =	vld.idx.msk [tilespmem:v48+s16+$0x0], $0xffff  }
0x111: {  	v19 =	vsub.f32 v17, v20;
	v20 =	vld.idx.msk [tilespmem:v54+s16+$0x0], $0xffff  }
0x112: {  	v2 =	vadd.f32 v30, v2;
	v7 =	vsub.f32 v9, v7;
	v9 =	vld.idx.msk [tilespmem:v46+s13+$0x0], $0xffff  }
0x113: {  	v24 =	vmul.f32 v23, v23;
	v3 =	vadd.f32 v34, v3;
	v34 =	vld.idx.msk [tilespmem:v47+s15+$0x0], $0xffff  }
0x114: {  	v31 =	vsub.f32 v15, v31;
	v30 =	vmul.f32 v28, v28;
	v28 =	vld.idx.msk [tilespmem:v49+s15+$0x0], $0xffff;
	v2 =	vadd.f32 v33, v2  }
0x115: {  	v27 =	vmul.f32 v26, v26;
	v26 =	vmul.f32 v12, v12;
	v12 =	vld.idx.msk [tilespmem:v50+s13+$0x0], $0xffff;
	v3 =	vadd.f32 v24, v3  }
0x116: {  	v8 =	vmul.f32 v8, v8;
	v33 =	vmul.f32 v31, v31;
	v31 =	vld.idx.msk [tilespmem:v50+s15+$0x0], $0xffff;
	v2 =	vadd.f32 v22, v2  }
0x117: {  	v24 =	vld.idx.msk [tilespmem:v48+s15+$0x0], $0xffff;
	v3 =	vadd.f32 v27, v3  }
0x118: {  	v21 =	vsub.f32 v14, v21;
	v6 =	vmul.f32 v6, v6;
	v22 =	vld.idx.msk [tilespmem:v47+s16+$0x0], $0xffff;
	v2 =	vadd.f32 v8, v2  }
0x119: {  	v4 =	vsub.f32 v15, v4;
	v8 =	vld.idx.msk [tilespmem:v45+s15+$0x0], $0xffff;
	v3 =	vadd.f32 v30, v3  }
0x11a: {  	v7 =	vmul.f32 v7, v7;
	v27 =	vsub.f32 v13, v29;
	v29 =	vld.idx.msk [tilespmem:v49+s16+$0x0], $0xffff;
	v2 =	vadd.f32 v6, v2  }
0x11b: {  	v23 =	vmul.f32 v21, v21;
	v5 =	vsub.f32 v16, v5;
	v6 =	vld.idx.msk [tilespmem:v47+s13+$0x0], $0xffff;
	v3 =	vadd.f32 v33, v3  }
0x11c: {  	v4 =	vmul.f32 v4, v4;
	v11 =	vsub.f32 v9, v11;
	v2 =	vadd.f32 v7, v2;
	v7 =	vld.idx.msk [tilespmem:v49+s13+$0x0], $0xffff  }
0x11d: {  	v5 =	vmul.f32 v5, v5;
	v9 =	vsub.f32 v9, v32;
	v32 =	vld.idx.msk [tilespmem:v50+s16+$0x0], $0xffff;
	v3 =	vadd.f32 v23, v3  }
0x11e: {  	v10 =	vsub.f32 v14, v10;
	v30 =	vmul.f32 v27, v27;
	v27 =	vld.idx.msk [tilespmem:v52+s16+$0x0], $0xffff;
	v8 =	vsub.f32 v13, v8  }
0x11f: {  	v2 =	vadd.f32 v4, v2;
	v4 =	vld.idx.msk [tilespmem:v48+s13+$0x0], $0xffff;
	v3 =	vadd.f32 v5, v3  }
0x120: {  	v10 =	vmul.f32 v10, v10;
	v34 =	vsub.f32 v6, v34;
	v6 =	vsub.f32 v6, v22;
	v22 =	vld.idx.msk [tilespmem:v51+s16+$0x0], $0xffff  }
0x121: {  	v8 =	vmul.f32 v8, v8;
	v13 =	vsub.f32 v7, v28;
	v5 =	vsub.f32 v7, v29;
	v7 =	vld.idx.msk [tilespmem:v53+s13+$0x0], $0xffff  }
0x122: {  	v2 =	vadd.f32 v10, v2;
	v28 =	vld.idx.msk [tilespmem:v53+s15+$0x0], $0xffff  }
0x123: {  	v3 =	vadd.f32 v8, v3;
	v8 =	vsub.f32 v12, v32;
	v32 =	vld.idx.msk [tilespmem:v54+s13+$0x0], $0xffff  }
0x124: {  	v21 =	vmul.f32 v34, v34;
	v34 =	vld.idx.msk [tilespmem:v54+s15+$0x0], $0xffff;
	v2 =	vadd.f32 v26, v2  }
0x125: {  	v33 =	vmul.f32 v11, v11;
	v23 =	vsub.f32 v4, v24;
	v24 =	vld.idx.msk [tilespmem:v52+s13+$0x0], $0xffff  }
0x126: {  	v9 =	vmul.f32 v9, v9;
	v4 =	vsub.f32 v4, v25;
	v25 =	vld.idx.msk [tilespmem:v52+s15+$0x0], $0xffff;
	v2 =	vadd.f32 v30, v2  }
0x127: {  	v6 =	vmul.f32 v6, v6;
	v3 =	vadd.f32 v33, v3;
	v30 =	vsub.f32 v12, v31;
	v31 =	vld.idx.msk [tilespmem:v53+s16+$0x0], $0xffff  }
0x128: {  	v10 =	vsub.f32 v17, v22;
	v22 =	vmul.f32 v19, v19;
	v19 =	vld.idx.msk [tilespmem:v58+s16+$0x0], $0xffff;
	v2 =	vadd.f32 v9, v2  }
0x129: {  	v3 =	vadd.f32 v21, v3;
	v21 =	vld.idx.msk [tilespmem:v55+s13+$0x0], $0xffff  }
0x12a: {  	v26 =	vmul.f32 v23, v23;
	v23 =	vld.idx.msk [tilespmem:v55+s15+$0x0], $0xffff;
	v2 =	vadd.f32 v6, v2  }
0x12b: {  	v4 =	vmul.f32 v4, v4;
	v9 =	vsub.f32 v24, v25;
	v11 =	vsub.f32 v24, v27;
	v24 =	vld.idx.msk [tilespmem:v55+s16+$0x0], $0xffff  }
0x12c: {  	v29 =	vmul.f32 v13, v13;
	v5 =	vmul.f32 v5, v5;
	v3 =	vadd.f32 v26, v3;
	v25 =	vld.idx.msk [tilespmem:v56+s13+$0x0], $0xffff  }
0x12d: {  	v33 =	vmul.f32 v30, v30;
	v30 =	vsub.f32 v32, v20;
	v27 =	vld.idx.msk [tilespmem:v56+s15+$0x0], $0xffff;
	v2 =	vadd.f32 v4, v2  }
0x12e: {  	v6 =	vsub.f32 v32, v34;
	v32 =	vld.idx.msk [tilespmem:v57+s16+$0x0], $0xffff;
	v3 =	vadd.f32 v29, v3  }
0x12f: {  	v8 =	vmul.f32 v8, v8;
	v34 =	vld.idx.msk [tilespmem:v58+s13+$0x0], $0xffff;
	v2 =	vadd.f32 v5, v2  }
0x130: {  	v29 =	vld.idx.msk [tilespmem:v57+s13+$0x0], $0xffff;
	v4 =	vsub.f32 v7, v28;
	v3 =	vadd.f32 v33, v3  }
0x131: {  	v10 =	vmul.f32 v10, v10;
	v7 =	vsub.f32 v7, v31;
	v28 =	vld.idx.msk [tilespmem:v56+s16+$0x0], $0xffff;
	v2 =	vadd.f32 v8, v2  }
0x132: {  	v9 =	vmul.f32 v9, v9;
	v31 =	vld.idx.msk [tilespmem:v57+s15+$0x0], $0xffff;
	v13 =	vsub.f32 v21, v23;
	v3 =	vadd.f32 v22, v3  }
0x133: {  	v26 =	vmul.f32 v11, v11;
	v5 =	vsub.f32 v21, v24;
	v21 =	vld.idx.msk [tilespmem:v59+s13+$0x0], $0xffff;
	v2 =	vadd.f32 v10, v2  }
0x134: {  	v4 =	vmul.f32 v4, v4;
	v11 =	vsub.f32 v25, v27;
	v22 =	vld.idx.msk [tilespmem:v59+s15+$0x0], $0xffff  }
0x135: {  	v7 =	vmul.f32 v7, v7;
	v24 =	vld.idx.msk [tilespmem:v59+s16+$0x0], $0xffff;
	v3 =	vadd.f32 v9, v3;
	v2 =	vadd.f32 v26, v2  }
0x136: {  	v33 =	vmul.f32 v30, v30;
	v27 =	vld.idx.msk [tilespmem:v60+s15+$0x0], $0xffff;
	v30 =	vsub.f32 v34, v18;
	v8 =	vsub.f32 v25, v28  }
0x137: {  	v6 =	vmul.f32 v6, v6;
	v18 =	vld.idx.msk [tilespmem:v61+s16+$0x0], $0xffff;
	v3 =	vadd.f32 v4, v3;
	v2 =	vadd.f32 v7, v2  }
0x138: {  	v20 =	vmul.f32 v13, v13;
	v25 =	vsub.f32 v29, v31;
	v31 =	vld.idx.msk [tilespmem:v61+s13+$0x0], $0xffff;
	v4 =	vsub.f32 v29, v32  }
0x139: {  	v5 =	vmul.f32 v5, v5;
	v29 =	vld.idx.msk [tilespmem:v60+s16+$0x0], $0xffff;
	v3 =	vadd.f32 v6, v3;
	v2 =	vadd.f32 v33, v2  }
0x13a: {  	v23 =	vmul.f32 v11, v11;
	v32 =	vld.idx.msk [tilespmem:v61+s15+$0x0], $0xffff;
	v33 =	vor.u32 $0x3F, v0  }
0x13b: {  	v8 =	vmul.f32 v8, v8;
	v26 =	vld.idx.msk [tilespmem:v60+s13+$0x0], $0xffff;
	v3 =	vadd.f32 v20, v3;
	v2 =	vadd.f32 v5, v2  }
0x13c: {  	v28 =	vmul.f32 v25, v25;
	v6 =	vsub.f32 v34, v19;
	v34 =	vsub.f32 v21, v22;
	v19 =	vld.idx.msk [tilespmem:v62+s13+$0x0], $0xffff  }
0x13d: {  	v4 =	vmul.f32 v4, v4;
	v22 =	vld.idx.msk [tilespmem:v62+s16+$0x0], $0xffff;
	v3 =	vadd.f32 v23, v3;
	v2 =	vadd.f32 v8, v2  }
0x13e: {  	v12 =	vmul.f32 v30, v30;
	v7 =	vsub.f32 v21, v24;
	v21 =	vld.idx.msk [tilespmem:v62+s15+$0x0], $0xffff  }
0x13f: {  	v6 =	vmul.f32 v6, v6;
	v3 =	vadd.f32 v28, v3;
	v23 =	vld.idx.msk [tilespmem:v33+s13+$0x0], $0xffff;
	v2 =	vadd.f32 v4, v2  }
0x140: {  	v20 =	vmul.f32 v34, v34;
	v9 =	vsub.f32 v26, v29;
	v5 =	vsub.f32 v26, v27;
	v25 =	vld.idx.msk [tilespmem:v33+s15+$0x0], $0xffff  }
0x141: {  	v7 =	vmul.f32 v7, v7;
	v3 =	vadd.f32 v12, v3;
	v8 =	vld.idx.msk [tilespmem:v33+s16+$0x0], $0xffff;
	v2 =	vadd.f32 v6, v2  }
0x142: {  	v10 =	vsub.f32 v31, v18;
	v24 =	vmul.f32 v9, v9;
	v4 =	vsub.f32 v31, v32  }
0x143: {  	v5 =	vmul.f32 v5, v5;
	v3 =	vadd.f32 v20, v3;
	v2 =	vadd.f32 v7, v2  }
0x144: {  	v26 =	vmul.f32 v10, v10;
	v27 =	vsub.f32 v19, v21;
	v28 =	vsub.f32 v19, v22  }
0x145: {  	v4 =	vmul.f32 v4, v4;
	v3 =	vadd.f32 v5, v3;
	v2 =	vadd.f32 v24, v2  }
0x146: {  	v29 =	vmul.f32 v27, v27;
	v30 =	vsub.f32 v23, v25;
	v6 =	vsub.f32 v23, v8  }
0x147: {  	v31 =	vmul.f32 v28, v28;
	v3 =	vadd.f32 v4, v3;
	v2 =	vadd.f32 v26, v2  }
0x148: {  	v32 =	vmul.f32 v30, v30  }
0x149: {  	v33 =	vmul.f32 v6, v6;
	v3 =	vadd.f32 v29, v3;
	v2 =	vadd.f32 v31, v2;
	_ =	sdelay $0x1  }
.Ltmp5:
0x14a: {  	v3 =	vadd.f32 v32, v3;
	v2 =	vadd.f32 v33, v2;
	(pc) =	sbr.rel .LBB2_4-.Ltmp5, $4  }
0x14b: {  	vm1 =	vlt.s32 v63, v1  }
0x14c: {  	v34 =	vsel vm1, v63, v1;
	vm2 =	vlt.f32 v2, v3  }
0x14d: {  	vm1 =	vlt.f32 v3, v2;
	v1 =	vsel vm2, v1, v34  }
0x14e: {  	v63 =	vsel vm1, v63, v1  }
.LBB2_6:
0x14f: {  	_ =	sfence.sel $0x180000  }
0x150: {  	[bflag:$0x0] =	sbarrier.arrive $0xFFFF  }
0x151: {  	p0 =	sne.s32 s1, $0x0;
	_ =	strace $0x90000047  }
0x152: {  	s0 =	sadd.s32 @!p0 $0x100000, s0;
	[bflag:$0x2] =	sbarrier.arrive $0xFFFF  }
0x153: {  	[sflag:s0] =	ssyncadd.tile.s32 @!p0 $0x1;
	_ =	shalt  }
.Lfunc_end2:
_tile_overlayer_lowered:
.L_overlay_start_2:
0x154: {  	(tag) =	ssettag $0x2  }
0x155: {  	s0 =	rddreg [dreg:$0x0];
	s2 =	stileid.u32  }
0x156: {  	s1 =	rddreg [dreg:$0x1];
	p0 =	sne.s32 s2, $0x0  }
0x157: {  	s3 =	rddreg [dreg:$0x2];
	[bflag:$0x3] =	sbarrier.arrive $0xFFFF;
	s2 =	simm.s32 @!p0 $0x1C02  }
0x158: {  	[timem:s3], [sflag:s2] =	dma.local @!p0 [hbm:s0], s1  }
0x159: {  	s0 =	simm.s32 @!p0 $0x2  }
0x15a: {  	_ =	swait.ge @!p0 [sflag:s0], s1  }
0x15b: {  	s1 =	ssub.s32 @!p0 $0x0, s1;
	[sflag:s0] =	ssyncset.done @!p0 $0x0  }
0x15c: {  	[sflag:s0] =	ssyncadd.s32 @!p0 s1  }
0x15d: {  	[bflag:$0x3] =	sbarrier.arrive $0xFFFF  }
0x15e: {  	_ =	shalt  }

</sc_bundles>
